<compile_context>
chip_gen: v7x
topology: tpu7x:2x2x1
jax: 0.10.2.dev20260603
libtpu: 0.0.44.dev20260713+nightly
codegen_flags: <defaults>
</compile_context>

<pallas_src>
import functools

import jax
import jax.numpy as jnp
from jax import lax
from jax.experimental import pallas as pl
from jax.experimental.pallas import tpu as pltpu
from jax.experimental.pallas import tpu_sc as plsc

_NUM_CORES = 2
_NUM_SUBCORES = 16
_NW = _NUM_CORES * _NUM_SUBCORES

_C = 200


def _sc_gather_mul_packed(x32, ep_flat, p):
    n, dw = x32.shape
    per_w = p // _NW
    n_chunks = per_w // _C
    assert p % _NW == 0 and per_w % _C == 0 and n_chunks % 2 == 0
    n2 = n_chunks // 2
    c2w = _C // 2

    mesh = plsc.VectorSubcoreMesh(core_axis_name="c", subcore_axis_name="s")

    @functools.partial(
        pl.kernel,
        out_type=jax.ShapeDtypeStruct((p // 2, 2 * dw), jnp.int32),
        mesh=mesh,
        compiler_params=pltpu.CompilerParams(use_tc_tiling_on_sc=False),
        scratch_types=[
            pltpu.VMEM((p // _NW,), jnp.int32),
            pltpu.VMEM((p // _NW,), jnp.int32),
            pltpu.VMEM((2, _C, dw), jnp.int32),
            pltpu.VMEM((2, _C, dw), jnp.int32),
            pltpu.VMEM((2, _C // 2, 2 * dw), jnp.int32),
            pltpu.SemaphoreType.DMA,
            pltpu.SemaphoreType.DMA,
            pltpu.SemaphoreType.DMA,
            pltpu.SemaphoreType.DMA,
        ],
    )
    def k(x_hbm, ep_hbm, out_hbm, ii_all, jj_all, xi_v, xj_v, o_v,
          g0, g1, s0, s1):
        wid = lax.axis_index("s") * _NUM_CORES + lax.axis_index("c")
        base = wid * per_w
        gsem = (g0, g1)
        ssem = (s0, s1)
        pltpu.sync_copy(ep_hbm.at[pl.ds(base, per_w)], ii_all)
        pltpu.sync_copy(ep_hbm.at[pl.ds(p + base, per_w)], jj_all)

        def fire(off, b):
            loc = off - base
            pltpu.async_copy(
                x_hbm.at[ii_all.at[pl.ds(loc, _C)]], xi_v.at[b], gsem[b])
            pltpu.async_copy(
                x_hbm.at[jj_all.at[pl.ds(loc, _C)]], xj_v.at[b], gsem[b])

        def drain_gathers(b):
            pltpu.make_async_copy(
                x_hbm.at[ii_all.at[pl.ds(0, _C)]], xi_v.at[b], gsem[b]).wait()
            pltpu.make_async_copy(
                x_hbm.at[jj_all.at[pl.ds(0, _C)]], xj_v.at[b], gsem[b]).wait()

        def drain_scatter(b):
            pltpu.make_async_copy(
                o_v.at[b], out_hbm.at[pl.ds(0, c2w)], ssem[b]).wait()

        def mult(b):
            mask = jnp.int32(-65536)
            half = jnp.int32(0x8000)

            def rowpair(r2, carry):
                for rr in range(2):
                    r = r2 * 2 + rr
                    for v in range(dw // 16):
                        sl = pl.ds(v * 16, 16)
                        vi = xi_v[b, r, sl]
                        vj = xj_v[b, r, sl]
                        ae = lax.bitcast_convert_type(vi << 16, jnp.float32)
                        ao = lax.bitcast_convert_type(vi & mask, jnp.float32)
                        be = lax.bitcast_convert_type(vj << 16, jnp.float32)
                        bo = lax.bitcast_convert_type(vj & mask, jnp.float32)
                        pe = lax.bitcast_convert_type(ae * be, jnp.int32)
                        po = lax.bitcast_convert_type(ao * bo, jnp.int32)
                        lo = lax.shift_right_logical(pe + half, 16)
                        hi = (po + half) & mask
                        o_v[b, r2, pl.ds(rr * dw + v * 16, 16)] = lo | hi
                return carry
            lax.fori_loop(0, c2w, rowpair, 0)

        def scatter(off, b):
            pltpu.async_copy(
                o_v.at[b], out_hbm.at[pl.ds(off // 2, c2w)], ssem[b])

        fire(base, 0)

        def body2(c2, carry):
            c = c2 * 2
            off0 = base + c * _C
            fire(off0 + _C, 1)
            drain_gathers(0)

            @pl.when(c2 > 0)
            def _():
                drain_scatter(0)
            mult(0)
            scatter(off0, 0)
            @pl.when(c2 + 1 < n2)
            def _():
                fire(off0 + 2 * _C, 0)
            drain_gathers(1)

            @pl.when(c2 > 0)
            def _():
                drain_scatter(1)
            mult(1)
            scatter(off0 + _C, 1)
            return carry

        lax.fori_loop(0, n2, body2, 0)
        drain_scatter(0)
        drain_scatter(1)

    return k(x32, ep_flat)


def _tc_mlp_packed(h2, W1, b1, W2, b2):
    p2, d = h2.shape
    dw = d // 2
    blk = 2000
    grid = p2 // blk
    assert p2 % blk == 0
    w1e = W1[0::2, :]
    w1o = W1[1::2, :]
    zed = jnp.zeros_like(w1e)

    def blockdiag(a, b):
        return jnp.concatenate(
            [jnp.concatenate([a, jnp.zeros_like(a)], axis=1),
             jnp.concatenate([jnp.zeros_like(b), b], axis=1)], axis=0)

    w1e_bd = blockdiag(w1e, w1e)
    w1o_bd = blockdiag(w1o, w1o)
    w2_bd = blockdiag(W2, W2)
    b1_2d = jnp.concatenate([b1, b1]).reshape(1, 2 * d)
    b2_2d = b2.reshape(1, 1)

    def body(h_ref, w1e_ref, w1o_ref, w2_ref, b1_ref, b2_ref, o_ref):
        hv = h_ref[...]
        e = lax.bitcast_convert_type(hv << 16, jnp.float32)
        o = lax.bitcast_convert_type(hv & jnp.int32(-65536), jnp.float32)
        z = (jnp.dot(e, w1e_ref[...], preferred_element_type=jnp.float32)
             + jnp.dot(o, w1o_ref[...], preferred_element_type=jnp.float32))
        z = jnp.maximum(z + b1_ref[...], 0.0)
        t = jnp.dot(z, w2_ref[...], preferred_element_type=jnp.float32)
        t = t + b2_ref[...]
        o_ref[...] = 1.0 / (1.0 + jnp.exp(-t))

    return pl.pallas_call(
        body,
        grid=(grid,),
        in_specs=[
            pl.BlockSpec((blk, d), lambda i: (i, 0)),
            pl.BlockSpec((d, 2 * d), lambda i: (0, 0)),
            pl.BlockSpec((d, 2 * d), lambda i: (0, 0)),
            pl.BlockSpec((2 * d, 2), lambda i: (0, 0)),
            pl.BlockSpec((1, 2 * d), lambda i: (0, 0)),
            pl.BlockSpec((1, 1), lambda i: (0, 0)),
        ],
        out_specs=pl.BlockSpec((blk, 2), lambda i: (i, 0)),
        out_shape=jax.ShapeDtypeStruct((p2, 2), jnp.float32),
    )(h2, w1e_bd, w1o_bd, w2_bd, b1_2d, b2_2d)


def kernel(x, edge_index, edge_pairs, W1, b1, W2, b2):
    del edge_index
    n, d = x.shape
    p = edge_pairs.shape[1]
    x32 = lax.bitcast_convert_type(
        x.astype(jnp.bfloat16).reshape(n, d // 2, 2), jnp.int32)
    ep_flat = edge_pairs.reshape(-1)
    h2 = _sc_gather_mul_packed(x32, ep_flat, p)
    out2 = _tc_mlp_packed(h2, W1, b1, W2, b2)
    return out2.reshape(p, 1)

# --- scband reference (transcript-rebuilt; emitter-appended) ---
"""Pipeline reference for scband-link-predictor-37769942401734 (READ-ONLY COPY).

The authoritative reference and input builder live on the scoring server;
editing this copy changes nothing except your own understanding.
"""

import jax, jax.numpy as jnp
import numpy as np

N = 10000
D = 128
E = 320000
P = 320000

def setup_inputs(seed: int = 0) -> dict:
    key = jax.random.key(seed)
    ks = jax.random.split(key, 8)
    x = jax.random.normal(ks[0], (N, D), dtype=jnp.float32)
    edge_index = jax.random.randint(ks[1], (2, E), 0, N, dtype=jnp.int32)
    edge_pairs = jax.random.randint(ks[2], (2, P), 0, N, dtype=jnp.int32)
    W1 = jax.random.normal(ks[3], (D, D), dtype=jnp.float32) * (1.0 / np.sqrt(D))
    b1 = jnp.zeros((D,), dtype=jnp.float32)
    W2 = jax.random.normal(ks[4], (D, 1), dtype=jnp.float32) * (1.0 / np.sqrt(D))
    b2 = jnp.zeros((1,), dtype=jnp.float32)
    return {"x": x, "edge_index": edge_index, "edge_pairs": edge_pairs,
            "W1": W1, "b1": b1, "W2": W2, "b2": b2}

def reference(x, edge_index, edge_pairs, W1, b1, W2, b2):
    # use_gat=False: node_embeddings = x (edge_index unused, kept for signature fidelity)
    node_embeddings = x
    # gather endpoint embeddings for each candidate pair
    x_i = jnp.take(node_embeddings, edge_pairs[0], axis=0)
    x_j = jnp.take(node_embeddings, edge_pairs[1], axis=0)
    # LinkPredictHead(embed_dim, output_dim=1): elementwise product -> MLP -> sigmoid
    h = x_i * x_j
    h = jax.nn.relu(h @ W1 + b1)
    out = jax.nn.sigmoid(h @ W2 + b2)
    return out

if __name__ == "__main__":
    import jax
    _d = setup_inputs()
    print(jax.jit(kernel)(*tuple(_d.values())))

</pallas_src>

<mosaic_0001>
#map = affine_map<(d0, d1) -> (0, 0)>
#map1 = affine_map<(d0, d1) -> (0)>
module attributes {stable_mosaic.version = 14 : i64} {
  func.func @k(%arg0: i32, %arg1: i32, %arg2: memref<10000x64xi32, #tpu.memory_space<hbm>>, %arg3: memref<640000xi32, #tpu.memory_space<hbm>>, %arg4: memref<160000x128xi32, #tpu.memory_space<hbm>>, %arg5: memref<10000xi32, #tpu.memory_space<vmem>>, %arg6: memref<10000xi32, #tpu.memory_space<vmem>>, %arg7: memref<2x200x64xi32, #tpu.memory_space<vmem>>, %arg8: memref<2x200x64xi32, #tpu.memory_space<vmem>>, %arg9: memref<2x100x128xi32, #tpu.memory_space<vmem>>, %arg10: memref<!tpu.dma_semaphore, #tpu.memory_space<semaphore_mem>>, %arg11: memref<!tpu.dma_semaphore, #tpu.memory_space<semaphore_mem>>, %arg12: memref<!tpu.dma_semaphore, #tpu.memory_space<semaphore_mem>>, %arg13: memref<!tpu.dma_semaphore, #tpu.memory_space<semaphore_mem>>) attributes {dimension_semantics = [#tpu.dimension_semantics<core_parallel>, #tpu.dimension_semantics<subcore_parallel>], iteration_bounds = array<i64: 2, 16>, scalar_prefetch = 0 : i64, scratch_operands = 9 : i64, tpu.core_type = #tpu.core_type<sc_vector_subcore>, window_params = [{transform_indices = #map}, {transform_indices = #map1}, {transform_indices = #map}]} {
    %mul3A = arith.constant 2 : i32
    %mul3A_0 = arith.muli %arg1, %mul3A : i32
    %add3A = arith.addi %mul3A_0, %arg0 : i32
    %mul3A_1 = arith.constant 10000 : i32
    %mul3A_2 = arith.muli %add3A, %mul3A_1 : i32
    "tpu.region"() ({
      %run_scoped3A = tpu.sem_alloc : memref<!tpu.dma_semaphore, #tpu.memory_space<semaphore_mem>>
      %dma_start3A_56 = tpu.memref_slice %arg3[%mul3A_2] : memref<640000xi32, #tpu.memory_space<hbm>> -> memref<10000xi32, #tpu.memory_space<hbm>>
      %dma_start3A_57 = tpu.memref_slice %arg3[%mul3A_2] : memref<640000xi32, #tpu.memory_space<hbm>> -> memref<10000xi32, #tpu.memory_space<hbm>>
      tpu.enqueue_dma source(%dma_start3A_57 : memref<10000xi32, #tpu.memory_space<hbm>>) target(%arg5 : memref<10000xi32, #tpu.memory_space<vmem>>) target_semaphore(%run_scoped3A : memref<!tpu.dma_semaphore, #tpu.memory_space<semaphore_mem>>)
      %dma_wait3A_58 = tpu.memref_slice %arg3[%mul3A_2] : memref<640000xi32, #tpu.memory_space<hbm>> -> memref<10000xi32, #tpu.memory_space<hbm>>
      %dma_wait3A_59 = tpu.memref_slice %arg3[%mul3A_2] : memref<640000xi32, #tpu.memory_space<hbm>> -> memref<10000xi32, #tpu.memory_space<hbm>>
      tpu.wait_dma2 semaphore(%run_scoped3A : memref<!tpu.dma_semaphore, #tpu.memory_space<semaphore_mem>>) src(%dma_wait3A_59 : memref<10000xi32, #tpu.memory_space<hbm>>) dst(%arg5 : memref<10000xi32, #tpu.memory_space<vmem>>)
      tpu.yield
    }) : () -> ()
    %add3A_3 = arith.constant 320000 : i32
    %add3A_4 = arith.addi %add3A_3, %mul3A_2 : i32
    "tpu.region"() ({
      %run_scoped3A = tpu.sem_alloc : memref<!tpu.dma_semaphore, #tpu.memory_space<semaphore_mem>>
      %dma_start3A_56 = tpu.memref_slice %arg3[%add3A_4] : memref<640000xi32, #tpu.memory_space<hbm>> -> memref<10000xi32, #tpu.memory_space<hbm>>
      %dma_start3A_57 = tpu.memref_slice %arg3[%add3A_4] : memref<640000xi32, #tpu.memory_space<hbm>> -> memref<10000xi32, #tpu.memory_space<hbm>>
      tpu.enqueue_dma source(%dma_start3A_57 : memref<10000xi32, #tpu.memory_space<hbm>>) target(%arg6 : memref<10000xi32, #tpu.memory_space<vmem>>) target_semaphore(%run_scoped3A : memref<!tpu.dma_semaphore, #tpu.memory_space<semaphore_mem>>)
      %dma_wait3A_58 = tpu.memref_slice %arg3[%add3A_4] : memref<640000xi32, #tpu.memory_space<hbm>> -> memref<10000xi32, #tpu.memory_space<hbm>>
      %dma_wait3A_59 = tpu.memref_slice %arg3[%add3A_4] : memref<640000xi32, #tpu.memory_space<hbm>> -> memref<10000xi32, #tpu.memory_space<hbm>>
      tpu.wait_dma2 semaphore(%run_scoped3A : memref<!tpu.dma_semaphore, #tpu.memory_space<semaphore_mem>>) src(%dma_wait3A_59 : memref<10000xi32, #tpu.memory_space<hbm>>) dst(%arg6 : memref<10000xi32, #tpu.memory_space<vmem>>)
      tpu.yield
    }) : () -> ()
    %sub3A = arith.subi %mul3A_2, %mul3A_2 : i32
    %dma_start3A = arith.constant 0 : i32
    %dma_start3A_5 = arith.constant 0 : i32
    %dma_start3A_6 = arith.constant 0 : i32
    %dma_start3A_7 = tpu.memref_slice %arg7[%dma_start3A, %dma_start3A_5, %dma_start3A_6] : memref<2x200x64xi32, #tpu.memory_space<vmem>> -> memref<1x200x64xi32, #tpu.memory_space<vmem>>
    %dma_start3A_8 = tpu.memref_squeeze %dma_start3A_7 : memref<1x200x64xi32, #tpu.memory_space<vmem>> -> memref<200x64xi32, #tpu.memory_space<vmem>>
    %dma_start3A_9 = tpu.memref_slice %arg5[%sub3A] : memref<10000xi32, #tpu.memory_space<vmem>> -> memref<200xi32, #tpu.memory_space<vmem>>
    %dma_start3A_10 = arith.constant 0 : i32
    %dma_start3A_11 = arith.constant 0 : i32
    %dma_start3A_12 = tpu.memref_slice %arg2[%dma_start3A_10, %dma_start3A_11] : memref<10000x64xi32, #tpu.memory_space<hbm>> -> memref<10000x64xi32, #tpu.memory_space<hbm>>
    tpu.enqueue_indirect_dma source(%dma_start3A_12 : memref<10000x64xi32, #tpu.memory_space<hbm>>) target(%dma_start3A_8 : memref<200x64xi32, #tpu.memory_space<vmem>>) offsets(%dma_start3A_9 : memref<200xi32, #tpu.memory_space<vmem>>) semaphore(%arg10 : memref<!tpu.dma_semaphore, #tpu.memory_space<semaphore_mem>>)
    %dma_start3A_13 = arith.constant 0 : i32
    %dma_start3A_14 = arith.constant 0 : i32
    %dma_start3A_15 = arith.constant 0 : i32
    %dma_start3A_16 = tpu.memref_slice %arg8[%dma_start3A_13, %dma_start3A_14, %dma_start3A_15] : memref<2x200x64xi32, #tpu.memory_space<vmem>> -> memref<1x200x64xi32, #tpu.memory_space<vmem>>
    %dma_start3A_17 = tpu.memref_squeeze %dma_start3A_16 : memref<1x200x64xi32, #tpu.memory_space<vmem>> -> memref<200x64xi32, #tpu.memory_space<vmem>>
    %dma_start3A_18 = tpu.memref_slice %arg6[%sub3A] : memref<10000xi32, #tpu.memory_space<vmem>> -> memref<200xi32, #tpu.memory_space<vmem>>
    %dma_start3A_19 = arith.constant 0 : i32
    %dma_start3A_20 = arith.constant 0 : i32
    %dma_start3A_21 = tpu.memref_slice %arg2[%dma_start3A_19, %dma_start3A_20] : memref<10000x64xi32, #tpu.memory_space<hbm>> -> memref<10000x64xi32, #tpu.memory_space<hbm>>
    tpu.enqueue_indirect_dma source(%dma_start3A_21 : memref<10000x64xi32, #tpu.memory_space<hbm>>) target(%dma_start3A_17 : memref<200x64xi32, #tpu.memory_space<vmem>>) offsets(%dma_start3A_18 : memref<200xi32, #tpu.memory_space<vmem>>) semaphore(%arg10 : memref<!tpu.dma_semaphore, #tpu.memory_space<semaphore_mem>>)
    %scan3A = arith.constant 0 : i32
    %scan3A_22 = arith.constant 0 : i32
    %scan3A_23 = arith.constant 25 : i32
    %scan3A_24 = arith.addi %scan3A_22, %scan3A_23 : i32
    %scan3A_25 = arith.constant 1 : i32
    scf.for %scan3A_56 = %scan3A_22 to %scan3A_24 step %scan3A_25  : i32 {
      %mul3A_57 = arith.constant 2 : i32
      %mul3A_58 = arith.muli %scan3A_56, %mul3A_57 : i32
      %mul3A_59 = arith.constant 200 : i32
      %mul3A_60 = arith.muli %mul3A_58, %mul3A_59 : i32
      %add3A_61 = arith.addi %mul3A_2, %mul3A_60 : i32
      %add3A_62 = arith.constant 200 : i32
      %add3A_63 = arith.addi %add3A_61, %add3A_62 : i32
      %sub3A_64 = arith.subi %add3A_63, %mul3A_2 : i32
      %dma_start3A_65 = arith.constant 1 : i32
      %dma_start3A_66 = arith.constant 0 : i32
      %dma_start3A_67 = arith.constant 0 : i32
      %dma_start3A_68 = tpu.memref_slice %arg7[%dma_start3A_65, %dma_start3A_66, %dma_start3A_67] : memref<2x200x64xi32, #tpu.memory_space<vmem>> -> memref<1x200x64xi32, #tpu.memory_space<vmem>>
      %dma_start3A_69 = tpu.memref_squeeze %dma_start3A_68 : memref<1x200x64xi32, #tpu.memory_space<vmem>> -> memref<200x64xi32, #tpu.memory_space<vmem>>
      %dma_start3A_70 = tpu.memref_slice %arg5[%sub3A_64] : memref<10000xi32, #tpu.memory_space<vmem>> -> memref<200xi32, #tpu.memory_space<vmem>>
      %dma_start3A_71 = arith.constant 0 : i32
      %dma_start3A_72 = arith.constant 0 : i32
      %dma_start3A_73 = tpu.memref_slice %arg2[%dma_start3A_71, %dma_start3A_72] : memref<10000x64xi32, #tpu.memory_space<hbm>> -> memref<10000x64xi32, #tpu.memory_space<hbm>>
      tpu.enqueue_indirect_dma source(%dma_start3A_73 : memref<10000x64xi32, #tpu.memory_space<hbm>>) target(%dma_start3A_69 : memref<200x64xi32, #tpu.memory_space<vmem>>) offsets(%dma_start3A_70 : memref<200xi32, #tpu.memory_space<vmem>>) semaphore(%arg11 : memref<!tpu.dma_semaphore, #tpu.memory_space<semaphore_mem>>)
      %dma_start3A_74 = arith.constant 1 : i32
      %dma_start3A_75 = arith.constant 0 : i32
      %dma_start3A_76 = arith.constant 0 : i32
      %dma_start3A_77 = tpu.memref_slice %arg8[%dma_start3A_74, %dma_start3A_75, %dma_start3A_76] : memref<2x200x64xi32, #tpu.memory_space<vmem>> -> memref<1x200x64xi32, #tpu.memory_space<vmem>>
      %dma_start3A_78 = tpu.memref_squeeze %dma_start3A_77 : memref<1x200x64xi32, #tpu.memory_space<vmem>> -> memref<200x64xi32, #tpu.memory_space<vmem>>
      %dma_start3A_79 = tpu.memref_slice %arg6[%sub3A_64] : memref<10000xi32, #tpu.memory_space<vmem>> -> memref<200xi32, #tpu.memory_space<vmem>>
      %dma_start3A_80 = arith.constant 0 : i32
      %dma_start3A_81 = arith.constant 0 : i32
      %dma_start3A_82 = tpu.memref_slice %arg2[%dma_start3A_80, %dma_start3A_81] : memref<10000x64xi32, #tpu.memory_space<hbm>> -> memref<10000x64xi32, #tpu.memory_space<hbm>>
      tpu.enqueue_indirect_dma source(%dma_start3A_82 : memref<10000x64xi32, #tpu.memory_space<hbm>>) target(%dma_start3A_78 : memref<200x64xi32, #tpu.memory_space<vmem>>) offsets(%dma_start3A_79 : memref<200xi32, #tpu.memory_space<vmem>>) semaphore(%arg11 : memref<!tpu.dma_semaphore, #tpu.memory_space<semaphore_mem>>)
      %dma_wait3A_83 = arith.constant 0 : i32
      %dma_wait3A_84 = arith.constant 0 : i32
      %dma_wait3A_85 = arith.constant 0 : i32
      %dma_wait3A_86 = tpu.memref_slice %arg7[%dma_wait3A_83, %dma_wait3A_84, %dma_wait3A_85] : memref<2x200x64xi32, #tpu.memory_space<vmem>> -> memref<1x200x64xi32, #tpu.memory_space<vmem>>
      %dma_wait3A_87 = tpu.memref_squeeze %dma_wait3A_86 : memref<1x200x64xi32, #tpu.memory_space<vmem>> -> memref<200x64xi32, #tpu.memory_space<vmem>>
      %dma_wait3A_88 = arith.constant 0 : i32
      %dma_wait3A_89 = tpu.memref_slice %arg5[%dma_wait3A_88] : memref<10000xi32, #tpu.memory_space<vmem>> -> memref<200xi32, #tpu.memory_space<vmem>>
      %dma_wait3A_90 = arith.constant 0 : i32
      %dma_wait3A_91 = arith.constant 0 : i32
      %dma_wait3A_92 = tpu.memref_slice %arg2[%dma_wait3A_90, %dma_wait3A_91] : memref<10000x64xi32, #tpu.memory_space<hbm>> -> memref<10000x64xi32, #tpu.memory_space<hbm>>
      tpu.wait_indirect_dma semaphore(%arg10 : memref<!tpu.dma_semaphore, #tpu.memory_space<semaphore_mem>>) src(%dma_wait3A_92 : memref<10000x64xi32, #tpu.memory_space<hbm>>) dst(%dma_wait3A_87 : memref<200x64xi32, #tpu.memory_space<vmem>>)
      %dma_wait3A_93 = arith.constant 0 : i32
      %dma_wait3A_94 = arith.constant 0 : i32
      %dma_wait3A_95 = arith.constant 0 : i32
      %dma_wait3A_96 = tpu.memref_slice %arg8[%dma_wait3A_93, %dma_wait3A_94, %dma_wait3A_95] : memref<2x200x64xi32, #tpu.memory_space<vmem>> -> memref<1x200x64xi32, #tpu.memory_space<vmem>>
      %dma_wait3A_97 = tpu.memref_squeeze %dma_wait3A_96 : memref<1x200x64xi32, #tpu.memory_space<vmem>> -> memref<200x64xi32, #tpu.memory_space<vmem>>
      %dma_wait3A_98 = arith.constant 0 : i32
      %dma_wait3A_99 = tpu.memref_slice %arg6[%dma_wait3A_98] : memref<10000xi32, #tpu.memory_space<vmem>> -> memref<200xi32, #tpu.memory_space<vmem>>
      %dma_wait3A_100 = arith.constant 0 : i32
      %dma_wait3A_101 = arith.constant 0 : i32
      %dma_wait3A_102 = tpu.memref_slice %arg2[%dma_wait3A_100, %dma_wait3A_101] : memref<10000x64xi32, #tpu.memory_space<hbm>> -> memref<10000x64xi32, #tpu.memory_space<hbm>>
      tpu.wait_indirect_dma semaphore(%arg10 : memref<!tpu.dma_semaphore, #tpu.memory_space<semaphore_mem>>) src(%dma_wait3A_102 : memref<10000x64xi32, #tpu.memory_space<hbm>>) dst(%dma_wait3A_97 : memref<200x64xi32, #tpu.memory_space<vmem>>)
      %gt3A = arith.constant 0 : i32
      %gt3A_103 = arith.cmpi sgt, %scan3A_56, %gt3A : i32
      %convert_element_type3A = arith.extui %gt3A_103 : i1 to i32
      %cond3A = arith.constant 0 : i32
      %cond3A_104 = arith.cmpi ne, %convert_element_type3A, %cond3A : i32
      scf.if %cond3A_104 {
        %dma_wait3A_221 = arith.constant 0 : i32
        %dma_wait3A_222 = arith.constant 0 : i32
        %dma_wait3A_223 = arith.constant 0 : i32
        %dma_wait3A_224 = tpu.memref_slice %arg9[%dma_wait3A_221, %dma_wait3A_222, %dma_wait3A_223] : memref<2x100x128xi32, #tpu.memory_space<vmem>> -> memref<1x100x128xi32, #tpu.memory_space<vmem>>
        %dma_wait3A_225 = tpu.memref_squeeze %dma_wait3A_224 : memref<1x100x128xi32, #tpu.memory_space<vmem>> -> memref<100x128xi32, #tpu.memory_space<vmem>>
        %dma_wait3A_226 = arith.constant 0 : i32
        %dma_wait3A_227 = arith.constant 0 : i32
        %dma_wait3A_228 = tpu.memref_slice %arg4[%dma_wait3A_226, %dma_wait3A_227] : memref<160000x128xi32, #tpu.memory_space<hbm>> -> memref<100x128xi32, #tpu.memory_space<hbm>>
        %dma_wait3A_229 = arith.constant 0 : i32
        %dma_wait3A_230 = arith.constant 0 : i32
        %dma_wait3A_231 = tpu.memref_slice %arg4[%dma_wait3A_229, %dma_wait3A_230] : memref<160000x128xi32, #tpu.memory_space<hbm>> -> memref<100x128xi32, #tpu.memory_space<hbm>>
        %dma_wait3A_232 = arith.constant 0 : i32
        %dma_wait3A_233 = arith.constant 0 : i32
        %dma_wait3A_234 = tpu.memref_slice %arg9[%dma_wait3A_221, %dma_wait3A_232, %dma_wait3A_233] : memref<2x100x128xi32, #tpu.memory_space<vmem>> -> memref<1x100x128xi32, #tpu.memory_space<vmem>>
        %dma_wait3A_235 = tpu.memref_squeeze %dma_wait3A_234 : memref<1x100x128xi32, #tpu.memory_space<vmem>> -> memref<100x128xi32, #tpu.memory_space<vmem>>
        tpu.wait_dma2 semaphore(%arg12 : memref<!tpu.dma_semaphore, #tpu.memory_space<semaphore_mem>>) src(%dma_wait3A_235 : memref<100x128xi32, #tpu.memory_space<vmem>>) dst(%dma_wait3A_231 : memref<100x128xi32, #tpu.memory_space<hbm>>)
      } else {
      }
      %scan3A_105 = arith.constant 0 : i32
      %scan3A_106 = arith.constant -65536 : i32
      %scan3A_107 = arith.constant 32768 : i32
      %scan3A_108 = arith.constant 0 : i32
      %scan3A_109 = arith.constant 100 : i32
      %scan3A_110 = arith.addi %scan3A_108, %scan3A_109 : i32
      %scan3A_111 = arith.constant 1 : i32
      scf.for %scan3A_221 = %scan3A_108 to %scan3A_110 step %scan3A_111  : i32 {
        %mul3A_222 = arith.constant 2 : i32
        %mul3A_223 = arith.muli %scan3A_221, %mul3A_222 : i32
        %add3A_224 = arith.constant 0 : i32
        %add3A_225 = arith.addi %mul3A_223, %add3A_224 : i32
        %get3A = arith.constant 0 : i32
        %get3A_226 = arith.index_cast %get3A : i32 to index
        %get3A_227 = arith.index_cast %add3A_225 : i32 to index
        %get3A_228 = arith.constant 0 : index
        %get3A_229 = tpu.vector_load %arg7[%get3A_226, %get3A_227, %get3A_228] {strides = array<i32>} : memref<2x200x64xi32, #tpu.memory_space<vmem>>, vector<1x1x16xi32>,
        %get3A_230 = vector.shape_cast %get3A_229 : vector<1x1x16xi32> to vector<16xi32>
        %get3A_231 = arith.constant 0 : i32
        %get3A_232 = arith.index_cast %get3A_231 : i32 to index
        %get3A_233 = arith.index_cast %add3A_225 : i32 to index
        %get3A_234 = arith.constant 0 : index
        %get3A_235 = tpu.vector_load %arg8[%get3A_232, %get3A_233, %get3A_234] {strides = array<i32>} : memref<2x200x64xi32, #tpu.memory_space<vmem>>, vector<1x1x16xi32>,
        %get3A_236 = vector.shape_cast %get3A_235 : vector<1x1x16xi32> to vector<16xi32>
        %shift_left3A = arith.constant 16 : i32
        %shift_left3A_237 = vector.broadcast %shift_left3A : i32 to vector<16xi32>
        %shift_left3A_238 = arith.shli %get3A_230, %shift_left3A_237 : vector<16xi32>
        %bitcast_convert_type3A = tpu.bitcast %shift_left3A_238 : vector<16xi32> -> vector<16xf32>
        %and3A_239 = vector.broadcast %scan3A_106 : i32 to vector<16xi32>
        %and3A_240 = arith.andi %get3A_230, %and3A_239 : vector<16xi32>
        %bitcast_convert_type3A_241 = tpu.bitcast %and3A_240 : vector<16xi32> -> vector<16xf32>
        %shift_left3A_242 = arith.constant 16 : i32
        %shift_left3A_243 = vector.broadcast %shift_left3A_242 : i32 to vector<16xi32>
        %shift_left3A_244 = arith.shli %get3A_236, %shift_left3A_243 : vector<16xi32>
        %bitcast_convert_type3A_245 = tpu.bitcast %shift_left3A_244 : vector<16xi32> -> vector<16xf32>
        %and3A_246 = vector.broadcast %scan3A_106 : i32 to vector<16xi32>
        %and3A_247 = arith.andi %get3A_236, %and3A_246 : vector<16xi32>
        %bitcast_convert_type3A_248 = tpu.bitcast %and3A_247 : vector<16xi32> -> vector<16xf32>
        %mul3A_249 = arith.mulf %bitcast_convert_type3A, %bitcast_convert_type3A_245 : vector<16xf32>
        %bitcast_convert_type3A_250 = tpu.bitcast %mul3A_249 : vector<16xf32> -> vector<16xi32>
        %mul3A_251 = arith.mulf %bitcast_convert_type3A_241, %bitcast_convert_type3A_248 : vector<16xf32>
        %bitcast_convert_type3A_252 = tpu.bitcast %mul3A_251 : vector<16xf32> -> vector<16xi32>
        %add3A_253 = vector.broadcast %scan3A_107 : i32 to vector<16xi32>
        %add3A_254 = arith.addi %bitcast_convert_type3A_250, %add3A_253 : vector<16xi32>
        %shift_right_logical3A = arith.constant 16 : i32
        %shift_right_logical3A_255 = vector.broadcast %shift_right_logical3A : i32 to vector<16xi32>
        %shift_right_logical3A_256 = arith.shrui %add3A_254, %shift_right_logical3A_255 : vector<16xi32>
        %add3A_257 = vector.broadcast %scan3A_107 : i32 to vector<16xi32>
        %add3A_258 = arith.addi %bitcast_convert_type3A_252, %add3A_257 : vector<16xi32>
        %and3A_259 = vector.broadcast %scan3A_106 : i32 to vector<16xi32>
        %and3A_260 = arith.andi %add3A_258, %and3A_259 : vector<16xi32>
        %or3A = arith.ori %shift_right_logical3A_256, %and3A_260 : vector<16xi32>
        %swap3A = arith.constant 0 : i32
        %swap3A_261 = arith.index_cast %swap3A : i32 to index
        %swap3A_262 = arith.index_cast %scan3A_221 : i32 to index
        %swap3A_263 = arith.constant 0 : index
        %swap3A_264 = tpu.vector_load %arg9[%swap3A_261, %swap3A_262, %swap3A_263] {strides = array<i32>} : memref<2x100x128xi32, #tpu.memory_space<vmem>>, vector<1x1x16xi32>,
        %swap3A_265 = vector.shape_cast %swap3A_264 : vector<1x1x16xi32> to vector<16xi32>
        %swap3A_266 = vector.shape_cast %or3A : vector<16xi32> to vector<1x1x16xi32>
        tpu.vector_store %arg9[%swap3A_261, %swap3A_262, %swap3A_263], %swap3A_266 {strides = array<i32>} : memref<2x100x128xi32, #tpu.memory_space<vmem>>, vector<1x1x16xi32>,
        %get3A_267 = arith.constant 0 : i32
        %get3A_268 = arith.index_cast %get3A_267 : i32 to index
        %get3A_269 = arith.index_cast %add3A_225 : i32 to index
        %get3A_270 = arith.constant 16 : index
        %get3A_271 = tpu.vector_load %arg7[%get3A_268, %get3A_269, %get3A_270] {strides = array<i32>} : memref<2x200x64xi32, #tpu.memory_space<vmem>>, vector<1x1x16xi32>,
        %get3A_272 = vector.shape_cast %get3A_271 : vector<1x1x16xi32> to vector<16xi32>
        %get3A_273 = arith.constant 0 : i32
        %get3A_274 = arith.index_cast %get3A_273 : i32 to index
        %get3A_275 = arith.index_cast %add3A_225 : i32 to index
        %get3A_276 = arith.constant 16 : index
        %get3A_277 = tpu.vector_load %arg8[%get3A_274, %get3A_275, %get3A_276] {strides = array<i32>} : memref<2x200x64xi32, #tpu.memory_space<vmem>>, vector<1x1x16xi32>,
        %get3A_278 = vector.shape_cast %get3A_277 : vector<1x1x16xi32> to vector<16xi32>
        %shift_left3A_279 = arith.constant 16 : i32
        %shift_left3A_280 = vector.broadcast %shift_left3A_279 : i32 to vector<16xi32>
        %shift_left3A_281 = arith.shli %get3A_272, %shift_left3A_280 : vector<16xi32>
        %bitcast_convert_type3A_282 = tpu.bitcast %shift_left3A_281 : vector<16xi32> -> vector<16xf32>
        %and3A_283 = vector.broadcast %scan3A_106 : i32 to vector<16xi32>
        %and3A_284 = arith.andi %get3A_272, %and3A_283 : vector<16xi32>
        %bitcast_convert_type3A_285 = tpu.bitcast %and3A_284 : vector<16xi32> -> vector<16xf32>
        %shift_left3A_286 = arith.constant 16 : i32
        %shift_left3A_287 = vector.broadcast %shift_left3A_286 : i32 to vector<16xi32>
        %shift_left3A_288 = arith.shli %get3A_278, %shift_left3A_287 : vector<16xi32>
        %bitcast_convert_type3A_289 = tpu.bitcast %shift_left3A_288 : vector<16xi32> -> vector<16xf32>
        %and3A_290 = vector.broadcast %scan3A_106 : i32 to vector<16xi32>
        %and3A_291 = arith.andi %get3A_278, %and3A_290 : vector<16xi32>
        %bitcast_convert_type3A_292 = tpu.bitcast %and3A_291 : vector<16xi32> -> vector<16xf32>
        %mul3A_293 = arith.mulf %bitcast_convert_type3A_282, %bitcast_convert_type3A_289 : vector<16xf32>
        %bitcast_convert_type3A_294 = tpu.bitcast %mul3A_293 : vector<16xf32> -> vector<16xi32>
        %mul3A_295 = arith.mulf %bitcast_convert_type3A_285, %bitcast_convert_type3A_292 : vector<16xf32>
        %bitcast_convert_type3A_296 = tpu.bitcast %mul3A_295 : vector<16xf32> -> vector<16xi32>
        %add3A_297 = vector.broadcast %scan3A_107 : i32 to vector<16xi32>
        %add3A_298 = arith.addi %bitcast_convert_type3A_294, %add3A_297 : vector<16xi32>
        %shift_right_logical3A_299 = arith.constant 16 : i32
        %shift_right_logical3A_300 = vector.broadcast %shift_right_logical3A_299 : i32 to vector<16xi32>
        %shift_right_logical3A_301 = arith.shrui %add3A_298, %shift_right_logical3A_300 : vector<16xi32>
        %add3A_302 = vector.broadcast %scan3A_107 : i32 to vector<16xi32>
        %add3A_303 = arith.addi %bitcast_convert_type3A_296, %add3A_302 : vector<16xi32>
        %and3A_304 = vector.broadcast %scan3A_106 : i32 to vector<16xi32>
        %and3A_305 = arith.andi %add3A_303, %and3A_304 : vector<16xi32>
        %or3A_306 = arith.ori %shift_right_logical3A_301, %and3A_305 : vector<16xi32>
        %swap3A_307 = arith.constant 0 : i32
        %swap3A_308 = arith.index_cast %swap3A_307 : i32 to index
        %swap3A_309 = arith.index_cast %scan3A_221 : i32 to index
        %swap3A_310 = arith.constant 16 : index
        %swap3A_311 = tpu.vector_load %arg9[%swap3A_308, %swap3A_309, %swap3A_310] {strides = array<i32>} : memref<2x100x128xi32, #tpu.memory_space<vmem>>, vector<1x1x16xi32>,
        %swap3A_312 = vector.shape_cast %swap3A_311 : vector<1x1x16xi32> to vector<16xi32>
        %swap3A_313 = vector.shape_cast %or3A_306 : vector<16xi32> to vector<1x1x16xi32>
        tpu.vector_store %arg9[%swap3A_308, %swap3A_309, %swap3A_310], %swap3A_313 {strides = array<i32>} : memref<2x100x128xi32, #tpu.memory_space<vmem>>, vector<1x1x16xi32>,
        %get3A_314 = arith.constant 0 : i32
        %get3A_315 = arith.index_cast %get3A_314 : i32 to index
        %get3A_316 = arith.index_cast %add3A_225 : i32 to index
        %get3A_317 = arith.constant 32 : index
        %get3A_318 = tpu.vector_load %arg7[%get3A_315, %get3A_316, %get3A_317] {strides = array<i32>} : memref<2x200x64xi32, #tpu.memory_space<vmem>>, vector<1x1x16xi32>,
        %get3A_319 = vector.shape_cast %get3A_318 : vector<1x1x16xi32> to vector<16xi32>
        %get3A_320 = arith.constant 0 : i32
        %get3A_321 = arith.index_cast %get3A_320 : i32 to index
        %get3A_322 = arith.index_cast %add3A_225 : i32 to index
        %get3A_323 = arith.constant 32 : index
        %get3A_324 = tpu.vector_load %arg8[%get3A_321, %get3A_322, %get3A_323] {strides = array<i32>} : memref<2x200x64xi32, #tpu.memory_space<vmem>>, vector<1x1x16xi32>,
        %get3A_325 = vector.shape_cast %get3A_324 : vector<1x1x16xi32> to vector<16xi32>
        %shift_left3A_326 = arith.constant 16 : i32
        %shift_left3A_327 = vector.broadcast %shift_left3A_326 : i32 to vector<16xi32>
        %shift_left3A_328 = arith.shli %get3A_319, %shift_left3A_327 : vector<16xi32>
        %bitcast_convert_type3A_329 = tpu.bitcast %shift_left3A_328 : vector<16xi32> -> vector<16xf32>
        %and3A_330 = vector.broadcast %scan3A_106 : i32 to vector<16xi32>
        %and3A_331 = arith.andi %get3A_319, %and3A_330 : vector<16xi32>
        %bitcast_convert_type3A_332 = tpu.bitcast %and3A_331 : vector<16xi32> -> vector<16xf32>
        %shift_left3A_333 = arith.constant 16 : i32
        %shift_left3A_334 = vector.broadcast %shift_left3A_333 : i32 to vector<16xi32>
        %shift_left3A_335 = arith.shli %get3A_325, %shift_left3A_334 : vector<16xi32>
        %bitcast_convert_type3A_336 = tpu.bitcast %shift_left3A_335 : vector<16xi32> -> vector<16xf32>
        %and3A_337 = vector.broadcast %scan3A_106 : i32 to vector<16xi32>
        %and3A_338 = arith.andi %get3A_325, %and3A_337 : vector<16xi32>
        %bitcast_convert_type3A_339 = tpu.bitcast %and3A_338 : vector<16xi32> -> vector<16xf32>
        %mul3A_340 = arith.mulf %bitcast_convert_type3A_329, %bitcast_convert_type3A_336 : vector<16xf32>
        %bitcast_convert_type3A_341 = tpu.bitcast %mul3A_340 : vector<16xf32> -> vector<16xi32>
        %mul3A_342 = arith.mulf %bitcast_convert_type3A_332, %bitcast_convert_type3A_339 : vector<16xf32>
        %bitcast_convert_type3A_343 = tpu.bitcast %mul3A_342 : vector<16xf32> -> vector<16xi32>
        %add3A_344 = vector.broadcast %scan3A_107 : i32 to vector<16xi32>
        %add3A_345 = arith.addi %bitcast_convert_type3A_341, %add3A_344 : vector<16xi32>
        %shift_right_logical3A_346 = arith.constant 16 : i32
        %shift_right_logical3A_347 = vector.broadcast %shift_right_logical3A_346 : i32 to vector<16xi32>
        %shift_right_logical3A_348 = arith.shrui %add3A_345, %shift_right_logical3A_347 : vector<16xi32>
        %add3A_349 = vector.broadcast %scan3A_107 : i32 to vector<16xi32>
        %add3A_350 = arith.addi %bitcast_convert_type3A_343, %add3A_349 : vector<16xi32>
        %and3A_351 = vector.broadcast %scan3A_106 : i32 to vector<16xi32>
        %and3A_352 = arith.andi %add3A_350, %and3A_351 : vector<16xi32>
        %or3A_353 = arith.ori %shift_right_logical3A_348, %and3A_352 : vector<16xi32>
        %swap3A_354 = arith.constant 0 : i32
        %swap3A_355 = arith.index_cast %swap3A_354 : i32 to index
        %swap3A_356 = arith.index_cast %scan3A_221 : i32 to index
        %swap3A_357 = arith.constant 32 : index
        %swap3A_358 = tpu.vector_load %arg9[%swap3A_355, %swap3A_356, %swap3A_357] {strides = array<i32>} : memref<2x100x128xi32, #tpu.memory_space<vmem>>, vector<1x1x16xi32>,
        %swap3A_359 = vector.shape_cast %swap3A_358 : vector<1x1x16xi32> to vector<16xi32>
        %swap3A_360 = vector.shape_cast %or3A_353 : vector<16xi32> to vector<1x1x16xi32>
        tpu.vector_store %arg9[%swap3A_355, %swap3A_356, %swap3A_357], %swap3A_360 {strides = array<i32>} : memref<2x100x128xi32, #tpu.memory_space<vmem>>, vector<1x1x16xi32>,
        %get3A_361 = arith.constant 0 : i32
        %get3A_362 = arith.index_cast %get3A_361 : i32 to index
        %get3A_363 = arith.index_cast %add3A_225 : i32 to index
        %get3A_364 = arith.constant 48 : index
        %get3A_365 = tpu.vector_load %arg7[%get3A_362, %get3A_363, %get3A_364] {strides = array<i32>} : memref<2x200x64xi32, #tpu.memory_space<vmem>>, vector<1x1x16xi32>,
        %get3A_366 = vector.shape_cast %get3A_365 : vector<1x1x16xi32> to vector<16xi32>
        %get3A_367 = arith.constant 0 : i32
        %get3A_368 = arith.index_cast %get3A_367 : i32 to index
        %get3A_369 = arith.index_cast %add3A_225 : i32 to index
        %get3A_370 = arith.constant 48 : index
        %get3A_371 = tpu.vector_load %arg8[%get3A_368, %get3A_369, %get3A_370] {strides = array<i32>} : memref<2x200x64xi32, #tpu.memory_space<vmem>>, vector<1x1x16xi32>,
        %get3A_372 = vector.shape_cast %get3A_371 : vector<1x1x16xi32> to vector<16xi32>
        %shift_left3A_373 = arith.constant 16 : i32
        %shift_left3A_374 = vector.broadcast %shift_left3A_373 : i32 to vector<16xi32>
        %shift_left3A_375 = arith.shli %get3A_366, %shift_left3A_374 : vector<16xi32>
        %bitcast_convert_type3A_376 = tpu.bitcast %shift_left3A_375 : vector<16xi32> -> vector<16xf32>
        %and3A_377 = vector.broadcast %scan3A_106 : i32 to vector<16xi32>
        %and3A_378 = arith.andi %get3A_366, %and3A_377 : vector<16xi32>
        %bitcast_convert_type3A_379 = tpu.bitcast %and3A_378 : vector<16xi32> -> vector<16xf32>
        %shift_left3A_380 = arith.constant 16 : i32
        %shift_left3A_381 = vector.broadcast %shift_left3A_380 : i32 to vector<16xi32>
        %shift_left3A_382 = arith.shli %get3A_372, %shift_left3A_381 : vector<16xi32>
        %bitcast_convert_type3A_383 = tpu.bitcast %shift_left3A_382 : vector<16xi32> -> vector<16xf32>
        %and3A_384 = vector.broadcast %scan3A_106 : i32 to vector<16xi32>
        %and3A_385 = arith.andi %get3A_372, %and3A_384 : vector<16xi32>
        %bitcast_convert_type3A_386 = tpu.bitcast %and3A_385 : vector<16xi32> -> vector<16xf32>
        %mul3A_387 = arith.mulf %bitcast_convert_type3A_376, %bitcast_convert_type3A_383 : vector<16xf32>
        %bitcast_convert_type3A_388 = tpu.bitcast %mul3A_387 : vector<16xf32> -> vector<16xi32>
        %mul3A_389 = arith.mulf %bitcast_convert_type3A_379, %bitcast_convert_type3A_386 : vector<16xf32>
        %bitcast_convert_type3A_390 = tpu.bitcast %mul3A_389 : vector<16xf32> -> vector<16xi32>
        %add3A_391 = vector.broadcast %scan3A_107 : i32 to vector<16xi32>
        %add3A_392 = arith.addi %bitcast_convert_type3A_388, %add3A_391 : vector<16xi32>
        %shift_right_logical3A_393 = arith.constant 16 : i32
        %shift_right_logical3A_394 = vector.broadcast %shift_right_logical3A_393 : i32 to vector<16xi32>
        %shift_right_logical3A_395 = arith.shrui %add3A_392, %shift_right_logical3A_394 : vector<16xi32>
        %add3A_396 = vector.broadcast %scan3A_107 : i32 to vector<16xi32>
        %add3A_397 = arith.addi %bitcast_convert_type3A_390, %add3A_396 : vector<16xi32>
        %and3A_398 = vector.broadcast %scan3A_106 : i32 to vector<16xi32>
        %and3A_399 = arith.andi %add3A_397, %and3A_398 : vector<16xi32>
        %or3A_400 = arith.ori %shift_right_logical3A_395, %and3A_399 : vector<16xi32>
        %swap3A_401 = arith.constant 0 : i32
        %swap3A_402 = arith.index_cast %swap3A_401 : i32 to index
        %swap3A_403 = arith.index_cast %scan3A_221 : i32 to index
        %swap3A_404 = arith.constant 48 : index
        %swap3A_405 = tpu.vector_load %arg9[%swap3A_402, %swap3A_403, %swap3A_404] {strides = array<i32>} : memref<2x100x128xi32, #tpu.memory_space<vmem>>, vector<1x1x16xi32>,
        %swap3A_406 = vector.shape_cast %swap3A_405 : vector<1x1x16xi32> to vector<16xi32>
        %swap3A_407 = vector.shape_cast %or3A_400 : vector<16xi32> to vector<1x1x16xi32>
        tpu.vector_store %arg9[%swap3A_402, %swap3A_403, %swap3A_404], %swap3A_407 {strides = array<i32>} : memref<2x100x128xi32, #tpu.memory_space<vmem>>, vector<1x1x16xi32>,
        %mul3A_408 = arith.constant 2 : i32
        %mul3A_409 = arith.muli %scan3A_221, %mul3A_408 : i32
        %add3A_410 = arith.constant 1 : i32
        %add3A_411 = arith.addi %mul3A_409, %add3A_410 : i32
        %get3A_412 = arith.constant 0 : i32
        %get3A_413 = arith.index_cast %get3A_412 : i32 to index
        %get3A_414 = arith.index_cast %add3A_411 : i32 to index
        %get3A_415 = arith.constant 0 : index
        %get3A_416 = tpu.vector_load %arg7[%get3A_413, %get3A_414, %get3A_415] {strides = array<i32>} : memref<2x200x64xi32, #tpu.memory_space<vmem>>, vector<1x1x16xi32>,
        %get3A_417 = vector.shape_cast %get3A_416 : vector<1x1x16xi32> to vector<16xi32>
        %get3A_418 = arith.constant 0 : i32
        %get3A_419 = arith.index_cast %get3A_418 : i32 to index
        %get3A_420 = arith.index_cast %add3A_411 : i32 to index
        %get3A_421 = arith.constant 0 : index
        %get3A_422 = tpu.vector_load %arg8[%get3A_419, %get3A_420, %get3A_421] {strides = array<i32>} : memref<2x200x64xi32, #tpu.memory_space<vmem>>, vector<1x1x16xi32>,
        %get3A_423 = vector.shape_cast %get3A_422 : vector<1x1x16xi32> to vector<16xi32>
        %shift_left3A_424 = arith.constant 16 : i32
        %shift_left3A_425 = vector.broadcast %shift_left3A_424 : i32 to vector<16xi32>
        %shift_left3A_426 = arith.shli %get3A_417, %shift_left3A_425 : vector<16xi32>
        %bitcast_convert_type3A_427 = tpu.bitcast %shift_left3A_426 : vector<16xi32> -> vector<16xf32>
        %and3A_428 = vector.broadcast %scan3A_106 : i32 to vector<16xi32>
        %and3A_429 = arith.andi %get3A_417, %and3A_428 : vector<16xi32>
        %bitcast_convert_type3A_430 = tpu.bitcast %and3A_429 : vector<16xi32> -> vector<16xf32>
        %shift_left3A_431 = arith.constant 16 : i32
        %shift_left3A_432 = vector.broadcast %shift_left3A_431 : i32 to vector<16xi32>
        %shift_left3A_433 = arith.shli %get3A_423, %shift_left3A_432 : vector<16xi32>
        %bitcast_convert_type3A_434 = tpu.bitcast %shift_left3A_433 : vector<16xi32> -> vector<16xf32>
        %and3A_435 = vector.broadcast %scan3A_106 : i32 to vector<16xi32>
        %and3A_436 = arith.andi %get3A_423, %and3A_435 : vector<16xi32>
        %bitcast_convert_type3A_437 = tpu.bitcast %and3A_436 : vector<16xi32> -> vector<16xf32>
        %mul3A_438 = arith.mulf %bitcast_convert_type3A_427, %bitcast_convert_type3A_434 : vector<16xf32>
        %bitcast_convert_type3A_439 = tpu.bitcast %mul3A_438 : vector<16xf32> -> vector<16xi32>
        %mul3A_440 = arith.mulf %bitcast_convert_type3A_430, %bitcast_convert_type3A_437 : vector<16xf32>
        %bitcast_convert_type3A_441 = tpu.bitcast %mul3A_440 : vector<16xf32> -> vector<16xi32>
        %add3A_442 = vector.broadcast %scan3A_107 : i32 to vector<16xi32>
        %add3A_443 = arith.addi %bitcast_convert_type3A_439, %add3A_442 : vector<16xi32>
        %shift_right_logical3A_444 = arith.constant 16 : i32
        %shift_right_logical3A_445 = vector.broadcast %shift_right_logical3A_444 : i32 to vector<16xi32>
        %shift_right_logical3A_446 = arith.shrui %add3A_443, %shift_right_logical3A_445 : vector<16xi32>
        %add3A_447 = vector.broadcast %scan3A_107 : i32 to vector<16xi32>
        %add3A_448 = arith.addi %bitcast_convert_type3A_441, %add3A_447 : vector<16xi32>
        %and3A_449 = vector.broadcast %scan3A_106 : i32 to vector<16xi32>
        %and3A_450 = arith.andi %add3A_448, %and3A_449 : vector<16xi32>
        %or3A_451 = arith.ori %shift_right_logical3A_446, %and3A_450 : vector<16xi32>
        %swap3A_452 = arith.constant 0 : i32
        %swap3A_453 = arith.index_cast %swap3A_452 : i32 to index
        %swap3A_454 = arith.index_cast %scan3A_221 : i32 to index
        %swap3A_455 = arith.constant 64 : index
        %swap3A_456 = tpu.vector_load %arg9[%swap3A_453, %swap3A_454, %swap3A_455] {strides = array<i32>} : memref<2x100x128xi32, #tpu.memory_space<vmem>>, vector<1x1x16xi32>,
        %swap3A_457 = vector.shape_cast %swap3A_456 : vector<1x1x16xi32> to vector<16xi32>
        %swap3A_458 = vector.shape_cast %or3A_451 : vector<16xi32> to vector<1x1x16xi32>
        tpu.vector_store %arg9[%swap3A_453, %swap3A_454, %swap3A_455], %swap3A_458 {strides = array<i32>} : memref<2x100x128xi32, #tpu.memory_space<vmem>>, vector<1x1x16xi32>,
        %get3A_459 = arith.constant 0 : i32
        %get3A_460 = arith.index_cast %get3A_459 : i32 to index
        %get3A_461 = arith.index_cast %add3A_411 : i32 to index
        %get3A_462 = arith.constant 16 : index
        %get3A_463 = tpu.vector_load %arg7[%get3A_460, %get3A_461, %get3A_462] {strides = array<i32>} : memref<2x200x64xi32, #tpu.memory_space<vmem>>, vector<1x1x16xi32>,
        %get3A_464 = vector.shape_cast %get3A_463 : vector<1x1x16xi32> to vector<16xi32>
        %get3A_465 = arith.constant 0 : i32
        %get3A_466 = arith.index_cast %get3A_465 : i32 to index
        %get3A_467 = arith.index_cast %add3A_411 : i32 to index
        %get3A_468 = arith.constant 16 : index
        %get3A_469 = tpu.vector_load %arg8[%get3A_466, %get3A_467, %get3A_468] {strides = array<i32>} : memref<2x200x64xi32, #tpu.memory_space<vmem>>, vector<1x1x16xi32>,
        %get3A_470 = vector.shape_cast %get3A_469 : vector<1x1x16xi32> to vector<16xi32>
        %shift_left3A_471 = arith.constant 16 : i32
        %shift_left3A_472 = vector.broadcast %shift_left3A_471 : i32 to vector<16xi32>
        %shift_left3A_473 = arith.shli %get3A_464, %shift_left3A_472 : vector<16xi32>
        %bitcast_convert_type3A_474 = tpu.bitcast %shift_left3A_473 : vector<16xi32> -> vector<16xf32>
        %and3A_475 = vector.broadcast %scan3A_106 : i32 to vector<16xi32>
        %and3A_476 = arith.andi %get3A_464, %and3A_475 : vector<16xi32>
        %bitcast_convert_type3A_477 = tpu.bitcast %and3A_476 : vector<16xi32> -> vector<16xf32>
        %shift_left3A_478 = arith.constant 16 : i32
        %shift_left3A_479 = vector.broadcast %shift_left3A_478 : i32 to vector<16xi32>
        %shift_left3A_480 = arith.shli %get3A_470, %shift_left3A_479 : vector<16xi32>
        %bitcast_convert_type3A_481 = tpu.bitcast %shift_left3A_480 : vector<16xi32> -> vector<16xf32>
        %and3A_482 = vector.broadcast %scan3A_106 : i32 to vector<16xi32>
        %and3A_483 = arith.andi %get3A_470, %and3A_482 : vector<16xi32>
        %bitcast_convert_type3A_484 = tpu.bitcast %and3A_483 : vector<16xi32> -> vector<16xf32>
        %mul3A_485 = arith.mulf %bitcast_convert_type3A_474, %bitcast_convert_type3A_481 : vector<16xf32>
        %bitcast_convert_type3A_486 = tpu.bitcast %mul3A_485 : vector<16xf32> -> vector<16xi32>
        %mul3A_487 = arith.mulf %bitcast_convert_type3A_477, %bitcast_convert_type3A_484 : vector<16xf32>
        %bitcast_convert_type3A_488 = tpu.bitcast %mul3A_487 : vector<16xf32> -> vector<16xi32>
        %add3A_489 = vector.broadcast %scan3A_107 : i32 to vector<16xi32>
        %add3A_490 = arith.addi %bitcast_convert_type3A_486, %add3A_489 : vector<16xi32>
        %shift_right_logical3A_491 = arith.constant 16 : i32
        %shift_right_logical3A_492 = vector.broadcast %shift_right_logical3A_491 : i32 to vector<16xi32>
        %shift_right_logical3A_493 = arith.shrui %add3A_490, %shift_right_logical3A_492 : vector<16xi32>
        %add3A_494 = vector.broadcast %scan3A_107 : i32 to vector<16xi32>
        %add3A_495 = arith.addi %bitcast_convert_type3A_488, %add3A_494 : vector<16xi32>
        %and3A_496 = vector.broadcast %scan3A_106 : i32 to vector<16xi32>
        %and3A_497 = arith.andi %add3A_495, %and3A_496 : vector<16xi32>
        %or3A_498 = arith.ori %shift_right_logical3A_493, %and3A_497 : vector<16xi32>
        %swap3A_499 = arith.constant 0 : i32
        %swap3A_500 = arith.index_cast %swap3A_499 : i32 to index
        %swap3A_501 = arith.index_cast %scan3A_221 : i32 to index
        %swap3A_502 = arith.constant 80 : index
        %swap3A_503 = tpu.vector_load %arg9[%swap3A_500, %swap3A_501, %swap3A_502] {strides = array<i32>} : memref<2x100x128xi32, #tpu.memory_space<vmem>>, vector<1x1x16xi32>,
        %swap3A_504 = vector.shape_cast %swap3A_503 : vector<1x1x16xi32> to vector<16xi32>
        %swap3A_505 = vector.shape_cast %or3A_498 : vector<16xi32> to vector<1x1x16xi32>
        tpu.vector_store %arg9[%swap3A_500, %swap3A_501, %swap3A_502], %swap3A_505 {strides = array<i32>} : memref<2x100x128xi32, #tpu.memory_space<vmem>>, vector<1x1x16xi32>,
        %get3A_506 = arith.constant 0 : i32
        %get3A_507 = arith.index_cast %get3A_506 : i32 to index
        %get3A_508 = arith.index_cast %add3A_411 : i32 to index
        %get3A_509 = arith.constant 32 : index
        %get3A_510 = tpu.vector_load %arg7[%get3A_507, %get3A_508, %get3A_509] {strides = array<i32>} : memref<2x200x64xi32, #tpu.memory_space<vmem>>, vector<1x1x16xi32>,
        %get3A_511 = vector.shape_cast %get3A_510 : vector<1x1x16xi32> to vector<16xi32>
        %get3A_512 = arith.constant 0 : i32
        %get3A_513 = arith.index_cast %get3A_512 : i32 to index
        %get3A_514 = arith.index_cast %add3A_411 : i32 to index
        %get3A_515 = arith.constant 32 : index
        %get3A_516 = tpu.vector_load %arg8[%get3A_513, %get3A_514, %get3A_515] {strides = array<i32>} : memref<2x200x64xi32, #tpu.memory_space<vmem>>, vector<1x1x16xi32>,
        %get3A_517 = vector.shape_cast %get3A_516 : vector<1x1x16xi32> to vector<16xi32>
        %shift_left3A_518 = arith.constant 16 : i32
        %shift_left3A_519 = vector.broadcast %shift_left3A_518 : i32 to vector<16xi32>
        %shift_left3A_520 = arith.shli %get3A_511, %shift_left3A_519 : vector<16xi32>
        %bitcast_convert_type3A_521 = tpu.bitcast %shift_left3A_520 : vector<16xi32> -> vector<16xf32>
        %and3A_522 = vector.broadcast %scan3A_106 : i32 to vector<16xi32>
        %and3A_523 = arith.andi %get3A_511, %and3A_522 : vector<16xi32>
        %bitcast_convert_type3A_524 = tpu.bitcast %and3A_523 : vector<16xi32> -> vector<16xf32>
        %shift_left3A_525 = arith.constant 16 : i32
        %shift_left3A_526 = vector.broadcast %shift_left3A_525 : i32 to vector<16xi32>
        %shift_left3A_527 = arith.shli %get3A_517, %shift_left3A_526 : vector<16xi32>
        %bitcast_convert_type3A_528 = tpu.bitcast %shift_left3A_527 : vector<16xi32> -> vector<16xf32>
        %and3A_529 = vector.broadcast %scan3A_106 : i32 to vector<16xi32>
        %and3A_530 = arith.andi %get3A_517, %and3A_529 : vector<16xi32>
        %bitcast_convert_type3A_531 = tpu.bitcast %and3A_530 : vector<16xi32> -> vector<16xf32>
        %mul3A_532 = arith.mulf %bitcast_convert_type3A_521, %bitcast_convert_type3A_528 : vector<16xf32>
        %bitcast_convert_type3A_533 = tpu.bitcast %mul3A_532 : vector<16xf32> -> vector<16xi32>
        %mul3A_534 = arith.mulf %bitcast_convert_type3A_524, %bitcast_convert_type3A_531 : vector<16xf32>
        %bitcast_convert_type3A_535 = tpu.bitcast %mul3A_534 : vector<16xf32> -> vector<16xi32>
        %add3A_536 = vector.broadcast %scan3A_107 : i32 to vector<16xi32>
        %add3A_537 = arith.addi %bitcast_convert_type3A_533, %add3A_536 : vector<16xi32>
        %shift_right_logical3A_538 = arith.constant 16 : i32
        %shift_right_logical3A_539 = vector.broadcast %shift_right_logical3A_538 : i32 to vector<16xi32>
        %shift_right_logical3A_540 = arith.shrui %add3A_537, %shift_right_logical3A_539 : vector<16xi32>
        %add3A_541 = vector.broadcast %scan3A_107 : i32 to vector<16xi32>
        %add3A_542 = arith.addi %bitcast_convert_type3A_535, %add3A_541 : vector<16xi32>
        %and3A_543 = vector.broadcast %scan3A_106 : i32 to vector<16xi32>
        %and3A_544 = arith.andi %add3A_542, %and3A_543 : vector<16xi32>
        %or3A_545 = arith.ori %shift_right_logical3A_540, %and3A_544 : vector<16xi32>
        %swap3A_546 = arith.constant 0 : i32
        %swap3A_547 = arith.index_cast %swap3A_546 : i32 to index
        %swap3A_548 = arith.index_cast %scan3A_221 : i32 to index
        %swap3A_549 = arith.constant 96 : index
        %swap3A_550 = tpu.vector_load %arg9[%swap3A_547, %swap3A_548, %swap3A_549] {strides = array<i32>} : memref<2x100x128xi32, #tpu.memory_space<vmem>>, vector<1x1x16xi32>,
        %swap3A_551 = vector.shape_cast %swap3A_550 : vector<1x1x16xi32> to vector<16xi32>
        %swap3A_552 = vector.shape_cast %or3A_545 : vector<16xi32> to vector<1x1x16xi32>
        tpu.vector_store %arg9[%swap3A_547, %swap3A_548, %swap3A_549], %swap3A_552 {strides = array<i32>} : memref<2x100x128xi32, #tpu.memory_space<vmem>>, vector<1x1x16xi32>,
        %get3A_553 = arith.constant 0 : i32
        %get3A_554 = arith.index_cast %get3A_553 : i32 to index
        %get3A_555 = arith.index_cast %add3A_411 : i32 to index
        %get3A_556 = arith.constant 48 : index
        %get3A_557 = tpu.vector_load %arg7[%get3A_554, %get3A_555, %get3A_556] {strides = array<i32>} : memref<2x200x64xi32, #tpu.memory_space<vmem>>, vector<1x1x16xi32>,
        %get3A_558 = vector.shape_cast %get3A_557 : vector<1x1x16xi32> to vector<16xi32>
        %get3A_559 = arith.constant 0 : i32
        %get3A_560 = arith.index_cast %get3A_559 : i32 to index
        %get3A_561 = arith.index_cast %add3A_411 : i32 to index
        %get3A_562 = arith.constant 48 : index
        %get3A_563 = tpu.vector_load %arg8[%get3A_560, %get3A_561, %get3A_562] {strides = array<i32>} : memref<2x200x64xi32, #tpu.memory_space<vmem>>, vector<1x1x16xi32>,
        %get3A_564 = vector.shape_cast %get3A_563 : vector<1x1x16xi32> to vector<16xi32>
        %shift_left3A_565 = arith.constant 16 : i32
        %shift_left3A_566 = vector.broadcast %shift_left3A_565 : i32 to vector<16xi32>
        %shift_left3A_567 = arith.shli %get3A_558, %shift_left3A_566 : vector<16xi32>
        %bitcast_convert_type3A_568 = tpu.bitcast %shift_left3A_567 : vector<16xi32> -> vector<16xf32>
        %and3A_569 = vector.broadcast %scan3A_106 : i32 to vector<16xi32>
        %and3A_570 = arith.andi %get3A_558, %and3A_569 : vector<16xi32>
        %bitcast_convert_type3A_571 = tpu.bitcast %and3A_570 : vector<16xi32> -> vector<16xf32>
        %shift_left3A_572 = arith.constant 16 : i32
        %shift_left3A_573 = vector.broadcast %shift_left3A_572 : i32 to vector<16xi32>
        %shift_left3A_574 = arith.shli %get3A_564, %shift_left3A_573 : vector<16xi32>
        %bitcast_convert_type3A_575 = tpu.bitcast %shift_left3A_574 : vector<16xi32> -> vector<16xf32>
        %and3A_576 = vector.broadcast %scan3A_106 : i32 to vector<16xi32>
        %and3A_577 = arith.andi %get3A_564, %and3A_576 : vector<16xi32>
        %bitcast_convert_type3A_578 = tpu.bitcast %and3A_577 : vector<16xi32> -> vector<16xf32>
        %mul3A_579 = arith.mulf %bitcast_convert_type3A_568, %bitcast_convert_type3A_575 : vector<16xf32>
        %bitcast_convert_type3A_580 = tpu.bitcast %mul3A_579 : vector<16xf32> -> vector<16xi32>
        %mul3A_581 = arith.mulf %bitcast_convert_type3A_571, %bitcast_convert_type3A_578 : vector<16xf32>
        %bitcast_convert_type3A_582 = tpu.bitcast %mul3A_581 : vector<16xf32> -> vector<16xi32>
        %add3A_583 = vector.broadcast %scan3A_107 : i32 to vector<16xi32>
        %add3A_584 = arith.addi %bitcast_convert_type3A_580, %add3A_583 : vector<16xi32>
        %shift_right_logical3A_585 = arith.constant 16 : i32
        %shift_right_logical3A_586 = vector.broadcast %shift_right_logical3A_585 : i32 to vector<16xi32>
        %shift_right_logical3A_587 = arith.shrui %add3A_584, %shift_right_logical3A_586 : vector<16xi32>
        %add3A_588 = vector.broadcast %scan3A_107 : i32 to vector<16xi32>
        %add3A_589 = arith.addi %bitcast_convert_type3A_582, %add3A_588 : vector<16xi32>
        %and3A_590 = vector.broadcast %scan3A_106 : i32 to vector<16xi32>
        %and3A_591 = arith.andi %add3A_589, %and3A_590 : vector<16xi32>
        %or3A_592 = arith.ori %shift_right_logical3A_587, %and3A_591 : vector<16xi32>
        %swap3A_593 = arith.constant 0 : i32
        %swap3A_594 = arith.index_cast %swap3A_593 : i32 to index
        %swap3A_595 = arith.index_cast %scan3A_221 : i32 to index
        %swap3A_596 = arith.constant 112 : index
        %swap3A_597 = tpu.vector_load %arg9[%swap3A_594, %swap3A_595, %swap3A_596] {strides = array<i32>} : memref<2x100x128xi32, #tpu.memory_space<vmem>>, vector<1x1x16xi32>,
        %swap3A_598 = vector.shape_cast %swap3A_597 : vector<1x1x16xi32> to vector<16xi32>
        %swap3A_599 = vector.shape_cast %or3A_592 : vector<16xi32> to vector<1x1x16xi32>
        tpu.vector_store %arg9[%swap3A_594, %swap3A_595, %swap3A_596], %swap3A_599 {strides = array<i32>} : memref<2x100x128xi32, #tpu.memory_space<vmem>>, vector<1x1x16xi32>,
      }
      %scan3A_112 = arith.constant 100 : i32
      %jit3A = arith.constant 2 : i32
      %div3A = arith.divsi %add3A_61, %jit3A : i32
      %sign3A = arith.constant 0 : i32
      %sign3A_113 = arith.cmpi sgt, %add3A_61, %sign3A : i32
      %sign3A_114 = arith.extui %sign3A_113 : i1 to i32
      %sign3A_115 = arith.constant 0 : i32
      %sign3A_116 = arith.cmpi slt, %add3A_61, %sign3A_115 : i32
      %sign3A_117 = arith.extui %sign3A_116 : i1 to i32
      %sign3A_118 = arith.subi %sign3A_114, %sign3A_117 : i32
      %sign3A_119 = arith.constant 0 : i32
      %sign3A_120 = arith.cmpi sgt, %jit3A, %sign3A_119 : i32
      %sign3A_121 = arith.extui %sign3A_120 : i1 to i32
      %sign3A_122 = arith.constant 0 : i32
      %sign3A_123 = arith.cmpi slt, %jit3A, %sign3A_122 : i32
      %sign3A_124 = arith.extui %sign3A_123 : i1 to i32
      %sign3A_125 = arith.subi %sign3A_121, %sign3A_124 : i32
      %ne3A = arith.cmpi ne, %sign3A_118, %sign3A_125 : i32
      %rem3A = arith.remsi %add3A_61, %jit3A : i32
      %ne3A_126 = arith.constant 0 : i32
      %ne3A_127 = arith.cmpi ne, %rem3A, %ne3A_126 : i32
      %and3A = arith.andi %ne3A, %ne3A_127 : i1
      %sub3A_128 = arith.constant 1 : i32
      %sub3A_129 = arith.subi %div3A, %sub3A_128 : i32
      %select_n3A = arith.select %and3A, %sub3A_129, %div3A : i32
      %dma_start3A_130 = arith.constant 0 : i32
      %dma_start3A_131 = arith.constant 0 : i32
      %dma_start3A_132 = arith.constant 0 : i32
      %dma_start3A_133 = tpu.memref_slice %arg9[%dma_start3A_130, %dma_start3A_131, %dma_start3A_132] : memref<2x100x128xi32, #tpu.memory_space<vmem>> -> memref<1x100x128xi32, #tpu.memory_space<vmem>>
      %dma_start3A_134 = tpu.memref_squeeze %dma_start3A_133 : memref<1x100x128xi32, #tpu.memory_space<vmem>> -> memref<100x128xi32, #tpu.memory_space<vmem>>
      %dma_start3A_135 = arith.constant 0 : i32
      %dma_start3A_136 = tpu.memref_slice %arg4[%select_n3A, %dma_start3A_135] : memref<160000x128xi32, #tpu.memory_space<hbm>> -> memref<100x128xi32, #tpu.memory_space<hbm>>
      %dma_start3A_137 = arith.constant 0 : i32
      %dma_start3A_138 = tpu.memref_slice %arg4[%select_n3A, %dma_start3A_137] : memref<160000x128xi32, #tpu.memory_space<hbm>> -> memref<100x128xi32, #tpu.memory_space<hbm>>
      %dma_start3A_139 = arith.constant 0 : i32
      %dma_start3A_140 = arith.constant 0 : i32
      %dma_start3A_141 = tpu.memref_slice %arg9[%dma_start3A_130, %dma_start3A_139, %dma_start3A_140] : memref<2x100x128xi32, #tpu.memory_space<vmem>> -> memref<1x100x128xi32, #tpu.memory_space<vmem>>
      %dma_start3A_142 = tpu.memref_squeeze %dma_start3A_141 : memref<1x100x128xi32, #tpu.memory_space<vmem>> -> memref<100x128xi32, #tpu.memory_space<vmem>>
      tpu.enqueue_dma source(%dma_start3A_142 : memref<100x128xi32, #tpu.memory_space<vmem>>) target(%dma_start3A_138 : memref<100x128xi32, #tpu.memory_space<hbm>>) target_semaphore(%arg12 : memref<!tpu.dma_semaphore, #tpu.memory_space<semaphore_mem>>)
      %add3A_143 = arith.constant 1 : i32
      %add3A_144 = arith.addi %scan3A_56, %add3A_143 : i32
      %lt3A = arith.constant 25 : i32
      %lt3A_145 = arith.cmpi slt, %add3A_144, %lt3A : i32
      %convert_element_type3A_146 = arith.extui %lt3A_145 : i1 to i32
      %cond3A_147 = arith.constant 0 : i32
      %cond3A_148 = arith.cmpi ne, %convert_element_type3A_146, %cond3A_147 : i32
      scf.if %cond3A_148 {
        %add3A_221 = arith.constant 400 : i32
        %add3A_222 = arith.addi %add3A_61, %add3A_221 : i32
        %sub3A_223 = arith.subi %add3A_222, %mul3A_2 : i32
        %dma_start3A_224 = arith.constant 0 : i32
        %dma_start3A_225 = arith.constant 0 : i32
        %dma_start3A_226 = arith.constant 0 : i32
        %dma_start3A_227 = tpu.memref_slice %arg7[%dma_start3A_224, %dma_start3A_225, %dma_start3A_226] : memref<2x200x64xi32, #tpu.memory_space<vmem>> -> memref<1x200x64xi32, #tpu.memory_space<vmem>>
        %dma_start3A_228 = tpu.memref_squeeze %dma_start3A_227 : memref<1x200x64xi32, #tpu.memory_space<vmem>> -> memref<200x64xi32, #tpu.memory_space<vmem>>
        %dma_start3A_229 = tpu.memref_slice %arg5[%sub3A_223] : memref<10000xi32, #tpu.memory_space<vmem>> -> memref<200xi32, #tpu.memory_space<vmem>>
        %dma_start3A_230 = arith.constant 0 : i32
        %dma_start3A_231 = arith.constant 0 : i32
        %dma_start3A_232 = tpu.memref_slice %arg2[%dma_start3A_230, %dma_start3A_231] : memref<10000x64xi32, #tpu.memory_space<hbm>> -> memref<10000x64xi32, #tpu.memory_space<hbm>>
        tpu.enqueue_indirect_dma source(%dma_start3A_232 : memref<10000x64xi32, #tpu.memory_space<hbm>>) target(%dma_start3A_228 : memref<200x64xi32, #tpu.memory_space<vmem>>) offsets(%dma_start3A_229 : memref<200xi32, #tpu.memory_space<vmem>>) semaphore(%arg10 : memref<!tpu.dma_semaphore, #tpu.memory_space<semaphore_mem>>)
        %dma_start3A_233 = arith.constant 0 : i32
        %dma_start3A_234 = arith.constant 0 : i32
        %dma_start3A_235 = arith.constant 0 : i32
        %dma_start3A_236 = tpu.memref_slice %arg8[%dma_start3A_233, %dma_start3A_234, %dma_start3A_235] : memref<2x200x64xi32, #tpu.memory_space<vmem>> -> memref<1x200x64xi32, #tpu.memory_space<vmem>>
        %dma_start3A_237 = tpu.memref_squeeze %dma_start3A_236 : memref<1x200x64xi32, #tpu.memory_space<vmem>> -> memref<200x64xi32, #tpu.memory_space<vmem>>
        %dma_start3A_238 = tpu.memref_slice %arg6[%sub3A_223] : memref<10000xi32, #tpu.memory_space<vmem>> -> memref<200xi32, #tpu.memory_space<vmem>>
        %dma_start3A_239 = arith.constant 0 : i32
        %dma_start3A_240 = arith.constant 0 : i32
        %dma_start3A_241 = tpu.memref_slice %arg2[%dma_start3A_239, %dma_start3A_240] : memref<10000x64xi32, #tpu.memory_space<hbm>> -> memref<10000x64xi32, #tpu.memory_space<hbm>>
        tpu.enqueue_indirect_dma source(%dma_start3A_241 : memref<10000x64xi32, #tpu.memory_space<hbm>>) target(%dma_start3A_237 : memref<200x64xi32, #tpu.memory_space<vmem>>) offsets(%dma_start3A_238 : memref<200xi32, #tpu.memory_space<vmem>>) semaphore(%arg10 : memref<!tpu.dma_semaphore, #tpu.memory_space<semaphore_mem>>)
      } else {
      }
      %dma_wait3A_149 = arith.constant 1 : i32
      %dma_wait3A_150 = arith.constant 0 : i32
      %dma_wait3A_151 = arith.constant 0 : i32
      %dma_wait3A_152 = tpu.memref_slice %arg7[%dma_wait3A_149, %dma_wait3A_150, %dma_wait3A_151] : memref<2x200x64xi32, #tpu.memory_space<vmem>> -> memref<1x200x64xi32, #tpu.memory_space<vmem>>
      %dma_wait3A_153 = tpu.memref_squeeze %dma_wait3A_152 : memref<1x200x64xi32, #tpu.memory_space<vmem>> -> memref<200x64xi32, #tpu.memory_space<vmem>>
      %dma_wait3A_154 = arith.constant 0 : i32
      %dma_wait3A_155 = tpu.memref_slice %arg5[%dma_wait3A_154] : memref<10000xi32, #tpu.memory_space<vmem>> -> memref<200xi32, #tpu.memory_space<vmem>>
      %dma_wait3A_156 = arith.constant 0 : i32
      %dma_wait3A_157 = arith.constant 0 : i32
      %dma_wait3A_158 = tpu.memref_slice %arg2[%dma_wait3A_156, %dma_wait3A_157] : memref<10000x64xi32, #tpu.memory_space<hbm>> -> memref<10000x64xi32, #tpu.memory_space<hbm>>
      tpu.wait_indirect_dma semaphore(%arg11 : memref<!tpu.dma_semaphore, #tpu.memory_space<semaphore_mem>>) src(%dma_wait3A_158 : memref<10000x64xi32, #tpu.memory_space<hbm>>) dst(%dma_wait3A_153 : memref<200x64xi32, #tpu.memory_space<vmem>>)
      %dma_wait3A_159 = arith.constant 1 : i32
      %dma_wait3A_160 = arith.constant 0 : i32
      %dma_wait3A_161 = arith.constant 0 : i32
      %dma_wait3A_162 = tpu.memref_slice %arg8[%dma_wait3A_159, %dma_wait3A_160, %dma_wait3A_161] : memref<2x200x64xi32, #tpu.memory_space<vmem>> -> memref<1x200x64xi32, #tpu.memory_space<vmem>>
      %dma_wait3A_163 = tpu.memref_squeeze %dma_wait3A_162 : memref<1x200x64xi32, #tpu.memory_space<vmem>> -> memref<200x64xi32, #tpu.memory_space<vmem>>
      %dma_wait3A_164 = arith.constant 0 : i32
      %dma_wait3A_165 = tpu.memref_slice %arg6[%dma_wait3A_164] : memref<10000xi32, #tpu.memory_space<vmem>> -> memref<200xi32, #tpu.memory_space<vmem>>
      %dma_wait3A_166 = arith.constant 0 : i32
      %dma_wait3A_167 = arith.constant 0 : i32
      %dma_wait3A_168 = tpu.memref_slice %arg2[%dma_wait3A_166, %dma_wait3A_167] : memref<10000x64xi32, #tpu.memory_space<hbm>> -> memref<10000x64xi32, #tpu.memory_space<hbm>>
      tpu.wait_indirect_dma semaphore(%arg11 : memref<!tpu.dma_semaphore, #tpu.memory_space<semaphore_mem>>) src(%dma_wait3A_168 : memref<10000x64xi32, #tpu.memory_space<hbm>>) dst(%dma_wait3A_163 : memref<200x64xi32, #tpu.memory_space<vmem>>)
      %gt3A_169 = arith.constant 0 : i32
      %gt3A_170 = arith.cmpi sgt, %scan3A_56, %gt3A_169 : i32
      %convert_element_type3A_171 = arith.extui %gt3A_170 : i1 to i32
      %cond3A_172 = arith.constant 0 : i32
      %cond3A_173 = arith.cmpi ne, %convert_element_type3A_171, %cond3A_172 : i32
      scf.if %cond3A_173 {
        %dma_wait3A_221 = arith.constant 1 : i32
        %dma_wait3A_222 = arith.constant 0 : i32
        %dma_wait3A_223 = arith.constant 0 : i32
        %dma_wait3A_224 = tpu.memref_slice %arg9[%dma_wait3A_221, %dma_wait3A_222, %dma_wait3A_223] : memref<2x100x128xi32, #tpu.memory_space<vmem>> -> memref<1x100x128xi32, #tpu.memory_space<vmem>>
        %dma_wait3A_225 = tpu.memref_squeeze %dma_wait3A_224 : memref<1x100x128xi32, #tpu.memory_space<vmem>> -> memref<100x128xi32, #tpu.memory_space<vmem>>
        %dma_wait3A_226 = arith.constant 0 : i32
        %dma_wait3A_227 = arith.constant 0 : i32
        %dma_wait3A_228 = tpu.memref_slice %arg4[%dma_wait3A_226, %dma_wait3A_227] : memref<160000x128xi32, #tpu.memory_space<hbm>> -> memref<100x128xi32, #tpu.memory_space<hbm>>
        %dma_wait3A_229 = arith.constant 0 : i32
        %dma_wait3A_230 = arith.constant 0 : i32
        %dma_wait3A_231 = tpu.memref_slice %arg4[%dma_wait3A_229, %dma_wait3A_230] : memref<160000x128xi32, #tpu.memory_space<hbm>> -> memref<100x128xi32, #tpu.memory_space<hbm>>
        %dma_wait3A_232 = arith.constant 0 : i32
        %dma_wait3A_233 = arith.constant 0 : i32
        %dma_wait3A_234 = tpu.memref_slice %arg9[%dma_wait3A_221, %dma_wait3A_232, %dma_wait3A_233] : memref<2x100x128xi32, #tpu.memory_space<vmem>> -> memref<1x100x128xi32, #tpu.memory_space<vmem>>
        %dma_wait3A_235 = tpu.memref_squeeze %dma_wait3A_234 : memref<1x100x128xi32, #tpu.memory_space<vmem>> -> memref<100x128xi32, #tpu.memory_space<vmem>>
        tpu.wait_dma2 semaphore(%arg13 : memref<!tpu.dma_semaphore, #tpu.memory_space<semaphore_mem>>) src(%dma_wait3A_235 : memref<100x128xi32, #tpu.memory_space<vmem>>) dst(%dma_wait3A_231 : memref<100x128xi32, #tpu.memory_space<hbm>>)
      } else {
      }
      %scan3A_174 = arith.constant 0 : i32
      %scan3A_175 = arith.constant -65536 : i32
      %scan3A_176 = arith.constant 32768 : i32
      %scan3A_177 = arith.constant 0 : i32
      %scan3A_178 = arith.constant 100 : i32
      %scan3A_179 = arith.addi %scan3A_177, %scan3A_178 : i32
      %scan3A_180 = arith.constant 1 : i32
      scf.for %scan3A_221 = %scan3A_177 to %scan3A_179 step %scan3A_180  : i32 {
        %mul3A_222 = arith.constant 2 : i32
        %mul3A_223 = arith.muli %scan3A_221, %mul3A_222 : i32
        %add3A_224 = arith.constant 0 : i32
        %add3A_225 = arith.addi %mul3A_223, %add3A_224 : i32
        %get3A = arith.constant 1 : i32
        %get3A_226 = arith.index_cast %get3A : i32 to index
        %get3A_227 = arith.index_cast %add3A_225 : i32 to index
        %get3A_228 = arith.constant 0 : index
        %get3A_229 = tpu.vector_load %arg7[%get3A_226, %get3A_227, %get3A_228] {strides = array<i32>} : memref<2x200x64xi32, #tpu.memory_space<vmem>>, vector<1x1x16xi32>,
        %get3A_230 = vector.shape_cast %get3A_229 : vector<1x1x16xi32> to vector<16xi32>
        %get3A_231 = arith.constant 1 : i32
        %get3A_232 = arith.index_cast %get3A_231 : i32 to index
        %get3A_233 = arith.index_cast %add3A_225 : i32 to index
        %get3A_234 = arith.constant 0 : index
        %get3A_235 = tpu.vector_load %arg8[%get3A_232, %get3A_233, %get3A_234] {strides = array<i32>} : memref<2x200x64xi32, #tpu.memory_space<vmem>>, vector<1x1x16xi32>,
        %get3A_236 = vector.shape_cast %get3A_235 : vector<1x1x16xi32> to vector<16xi32>
        %shift_left3A = arith.constant 16 : i32
        %shift_left3A_237 = vector.broadcast %shift_left3A : i32 to vector<16xi32>
        %shift_left3A_238 = arith.shli %get3A_230, %shift_left3A_237 : vector<16xi32>
        %bitcast_convert_type3A = tpu.bitcast %shift_left3A_238 : vector<16xi32> -> vector<16xf32>
        %and3A_239 = vector.broadcast %scan3A_175 : i32 to vector<16xi32>
        %and3A_240 = arith.andi %get3A_230, %and3A_239 : vector<16xi32>
        %bitcast_convert_type3A_241 = tpu.bitcast %and3A_240 : vector<16xi32> -> vector<16xf32>
        %shift_left3A_242 = arith.constant 16 : i32
        %shift_left3A_243 = vector.broadcast %shift_left3A_242 : i32 to vector<16xi32>
        %shift_left3A_244 = arith.shli %get3A_236, %shift_left3A_243 : vector<16xi32>
        %bitcast_convert_type3A_245 = tpu.bitcast %shift_left3A_244 : vector<16xi32> -> vector<16xf32>
        %and3A_246 = vector.broadcast %scan3A_175 : i32 to vector<16xi32>
        %and3A_247 = arith.andi %get3A_236, %and3A_246 : vector<16xi32>
        %bitcast_convert_type3A_248 = tpu.bitcast %and3A_247 : vector<16xi32> -> vector<16xf32>
        %mul3A_249 = arith.mulf %bitcast_convert_type3A, %bitcast_convert_type3A_245 : vector<16xf32>
        %bitcast_convert_type3A_250 = tpu.bitcast %mul3A_249 : vector<16xf32> -> vector<16xi32>
        %mul3A_251 = arith.mulf %bitcast_convert_type3A_241, %bitcast_convert_type3A_248 : vector<16xf32>
        %bitcast_convert_type3A_252 = tpu.bitcast %mul3A_251 : vector<16xf32> -> vector<16xi32>
        %add3A_253 = vector.broadcast %scan3A_176 : i32 to vector<16xi32>
        %add3A_254 = arith.addi %bitcast_convert_type3A_250, %add3A_253 : vector<16xi32>
        %shift_right_logical3A = arith.constant 16 : i32
        %shift_right_logical3A_255 = vector.broadcast %shift_right_logical3A : i32 to vector<16xi32>
        %shift_right_logical3A_256 = arith.shrui %add3A_254, %shift_right_logical3A_255 : vector<16xi32>
        %add3A_257 = vector.broadcast %scan3A_176 : i32 to vector<16xi32>
        %add3A_258 = arith.addi %bitcast_convert_type3A_252, %add3A_257 : vector<16xi32>
        %and3A_259 = vector.broadcast %scan3A_175 : i32 to vector<16xi32>
        %and3A_260 = arith.andi %add3A_258, %and3A_259 : vector<16xi32>
        %or3A = arith.ori %shift_right_logical3A_256, %and3A_260 : vector<16xi32>
        %swap3A = arith.constant 1 : i32
        %swap3A_261 = arith.index_cast %swap3A : i32 to index
        %swap3A_262 = arith.index_cast %scan3A_221 : i32 to index
        %swap3A_263 = arith.constant 0 : index
        %swap3A_264 = tpu.vector_load %arg9[%swap3A_261, %swap3A_262, %swap3A_263] {strides = array<i32>} : memref<2x100x128xi32, #tpu.memory_space<vmem>>, vector<1x1x16xi32>,
        %swap3A_265 = vector.shape_cast %swap3A_264 : vector<1x1x16xi32> to vector<16xi32>
        %swap3A_266 = vector.shape_cast %or3A : vector<16xi32> to vector<1x1x16xi32>
        tpu.vector_store %arg9[%swap3A_261, %swap3A_262, %swap3A_263], %swap3A_266 {strides = array<i32>} : memref<2x100x128xi32, #tpu.memory_space<vmem>>, vector<1x1x16xi32>,
        %get3A_267 = arith.constant 1 : i32
        %get3A_268 = arith.index_cast %get3A_267 : i32 to index
        %get3A_269 = arith.index_cast %add3A_225 : i32 to index
        %get3A_270 = arith.constant 16 : index
        %get3A_271 = tpu.vector_load %arg7[%get3A_268, %get3A_269, %get3A_270] {strides = array<i32>} : memref<2x200x64xi32, #tpu.memory_space<vmem>>, vector<1x1x16xi32>,
        %get3A_272 = vector.shape_cast %get3A_271 : vector<1x1x16xi32> to vector<16xi32>
        %get3A_273 = arith.constant 1 : i32
        %get3A_274 = arith.index_cast %get3A_273 : i32 to index
        %get3A_275 = arith.index_cast %add3A_225 : i32 to index
        %get3A_276 = arith.constant 16 : index
        %get3A_277 = tpu.vector_load %arg8[%get3A_274, %get3A_275, %get3A_276] {strides = array<i32>} : memref<2x200x64xi32, #tpu.memory_space<vmem>>, vector<1x1x16xi32>,
        %get3A_278 = vector.shape_cast %get3A_277 : vector<1x1x16xi32> to vector<16xi32>
        %shift_left3A_279 = arith.constant 16 : i32
        %shift_left3A_280 = vector.broadcast %shift_left3A_279 : i32 to vector<16xi32>
        %shift_left3A_281 = arith.shli %get3A_272, %shift_left3A_280 : vector<16xi32>
        %bitcast_convert_type3A_282 = tpu.bitcast %shift_left3A_281 : vector<16xi32> -> vector<16xf32>
        %and3A_283 = vector.broadcast %scan3A_175 : i32 to vector<16xi32>
        %and3A_284 = arith.andi %get3A_272, %and3A_283 : vector<16xi32>
        %bitcast_convert_type3A_285 = tpu.bitcast %and3A_284 : vector<16xi32> -> vector<16xf32>
        %shift_left3A_286 = arith.constant 16 : i32
        %shift_left3A_287 = vector.broadcast %shift_left3A_286 : i32 to vector<16xi32>
        %shift_left3A_288 = arith.shli %get3A_278, %shift_left3A_287 : vector<16xi32>
        %bitcast_convert_type3A_289 = tpu.bitcast %shift_left3A_288 : vector<16xi32> -> vector<16xf32>
        %and3A_290 = vector.broadcast %scan3A_175 : i32 to vector<16xi32>
        %and3A_291 = arith.andi %get3A_278, %and3A_290 : vector<16xi32>
        %bitcast_convert_type3A_292 = tpu.bitcast %and3A_291 : vector<16xi32> -> vector<16xf32>
        %mul3A_293 = arith.mulf %bitcast_convert_type3A_282, %bitcast_convert_type3A_289 : vector<16xf32>
        %bitcast_convert_type3A_294 = tpu.bitcast %mul3A_293 : vector<16xf32> -> vector<16xi32>
        %mul3A_295 = arith.mulf %bitcast_convert_type3A_285, %bitcast_convert_type3A_292 : vector<16xf32>
        %bitcast_convert_type3A_296 = tpu.bitcast %mul3A_295 : vector<16xf32> -> vector<16xi32>
        %add3A_297 = vector.broadcast %scan3A_176 : i32 to vector<16xi32>
        %add3A_298 = arith.addi %bitcast_convert_type3A_294, %add3A_297 : vector<16xi32>
        %shift_right_logical3A_299 = arith.constant 16 : i32
        %shift_right_logical3A_300 = vector.broadcast %shift_right_logical3A_299 : i32 to vector<16xi32>
        %shift_right_logical3A_301 = arith.shrui %add3A_298, %shift_right_logical3A_300 : vector<16xi32>
        %add3A_302 = vector.broadcast %scan3A_176 : i32 to vector<16xi32>
        %add3A_303 = arith.addi %bitcast_convert_type3A_296, %add3A_302 : vector<16xi32>
        %and3A_304 = vector.broadcast %scan3A_175 : i32 to vector<16xi32>
        %and3A_305 = arith.andi %add3A_303, %and3A_304 : vector<16xi32>
        %or3A_306 = arith.ori %shift_right_logical3A_301, %and3A_305 : vector<16xi32>
        %swap3A_307 = arith.constant 1 : i32
        %swap3A_308 = arith.index_cast %swap3A_307 : i32 to index
        %swap3A_309 = arith.index_cast %scan3A_221 : i32 to index
        %swap3A_310 = arith.constant 16 : index
        %swap3A_311 = tpu.vector_load %arg9[%swap3A_308, %swap3A_309, %swap3A_310] {strides = array<i32>} : memref<2x100x128xi32, #tpu.memory_space<vmem>>, vector<1x1x16xi32>,
        %swap3A_312 = vector.shape_cast %swap3A_311 : vector<1x1x16xi32> to vector<16xi32>
        %swap3A_313 = vector.shape_cast %or3A_306 : vector<16xi32> to vector<1x1x16xi32>
        tpu.vector_store %arg9[%swap3A_308, %swap3A_309, %swap3A_310], %swap3A_313 {strides = array<i32>} : memref<2x100x128xi32, #tpu.memory_space<vmem>>, vector<1x1x16xi32>,
        %get3A_314 = arith.constant 1 : i32
        %get3A_315 = arith.index_cast %get3A_314 : i32 to index
        %get3A_316 = arith.index_cast %add3A_225 : i32 to index
        %get3A_317 = arith.constant 32 : index
        %get3A_318 = tpu.vector_load %arg7[%get3A_315, %get3A_316, %get3A_317] {strides = array<i32>} : memref<2x200x64xi32, #tpu.memory_space<vmem>>, vector<1x1x16xi32>,
        %get3A_319 = vector.shape_cast %get3A_318 : vector<1x1x16xi32> to vector<16xi32>
        %get3A_320 = arith.constant 1 : i32
        %get3A_321 = arith.index_cast %get3A_320 : i32 to index
        %get3A_322 = arith.index_cast %add3A_225 : i32 to index
        %get3A_323 = arith.constant 32 : index
        %get3A_324 = tpu.vector_load %arg8[%get3A_321, %get3A_322, %get3A_323] {strides = array<i32>} : memref<2x200x64xi32, #tpu.memory_space<vmem>>, vector<1x1x16xi32>,
        %get3A_325 = vector.shape_cast %get3A_324 : vector<1x1x16xi32> to vector<16xi32>
        %shift_left3A_326 = arith.constant 16 : i32
        %shift_left3A_327 = vector.broadcast %shift_left3A_326 : i32 to vector<16xi32>
        %shift_left3A_328 = arith.shli %get3A_319, %shift_left3A_327 : vector<16xi32>
        %bitcast_convert_type3A_329 = tpu.bitcast %shift_left3A_328 : vector<16xi32> -> vector<16xf32>
        %and3A_330 = vector.broadcast %scan3A_175 : i32 to vector<16xi32>
        %and3A_331 = arith.andi %get3A_319, %and3A_330 : vector<16xi32>
        %bitcast_convert_type3A_332 = tpu.bitcast %and3A_331 : vector<16xi32> -> vector<16xf32>
        %shift_left3A_333 = arith.constant 16 : i32
        %shift_left3A_334 = vector.broadcast %shift_left3A_333 : i32 to vector<16xi32>
        %shift_left3A_335 = arith.shli %get3A_325, %shift_left3A_334 : vector<16xi32>
        %bitcast_convert_type3A_336 = tpu.bitcast %shift_left3A_335 : vector<16xi32> -> vector<16xf32>
        %and3A_337 = vector.broadcast %scan3A_175 : i32 to vector<16xi32>
        %and3A_338 = arith.andi %get3A_325, %and3A_337 : vector<16xi32>
        %bitcast_convert_type3A_339 = tpu.bitcast %and3A_338 : vector<16xi32> -> vector<16xf32>
        %mul3A_340 = arith.mulf %bitcast_convert_type3A_329, %bitcast_convert_type3A_336 : vector<16xf32>
        %bitcast_convert_type3A_341 = tpu.bitcast %mul3A_340 : vector<16xf32> -> vector<16xi32>
        %mul3A_342 = arith.mulf %bitcast_convert_type3A_332, %bitcast_convert_type3A_339 : vector<16xf32>
        %bitcast_convert_type3A_343 = tpu.bitcast %mul3A_342 : vector<16xf32> -> vector<16xi32>
        %add3A_344 = vector.broadcast %scan3A_176 : i32 to vector<16xi32>
        %add3A_345 = arith.addi %bitcast_convert_type3A_341, %add3A_344 : vector<16xi32>
        %shift_right_logical3A_346 = arith.constant 16 : i32
        %shift_right_logical3A_347 = vector.broadcast %shift_right_logical3A_346 : i32 to vector<16xi32>
        %shift_right_logical3A_348 = arith.shrui %add3A_345, %shift_right_logical3A_347 : vector<16xi32>
        %add3A_349 = vector.broadcast %scan3A_176 : i32 to vector<16xi32>
        %add3A_350 = arith.addi %bitcast_convert_type3A_343, %add3A_349 : vector<16xi32>
        %and3A_351 = vector.broadcast %scan3A_175 : i32 to vector<16xi32>
        %and3A_352 = arith.andi %add3A_350, %and3A_351 : vector<16xi32>
        %or3A_353 = arith.ori %shift_right_logical3A_348, %and3A_352 : vector<16xi32>
        %swap3A_354 = arith.constant 1 : i32
        %swap3A_355 = arith.index_cast %swap3A_354 : i32 to index
        %swap3A_356 = arith.index_cast %scan3A_221 : i32 to index
        %swap3A_357 = arith.constant 32 : index
        %swap3A_358 = tpu.vector_load %arg9[%swap3A_355, %swap3A_356, %swap3A_357] {strides = array<i32>} : memref<2x100x128xi32, #tpu.memory_space<vmem>>, vector<1x1x16xi32>,
        %swap3A_359 = vector.shape_cast %swap3A_358 : vector<1x1x16xi32> to vector<16xi32>
        %swap3A_360 = vector.shape_cast %or3A_353 : vector<16xi32> to vector<1x1x16xi32>
        tpu.vector_store %arg9[%swap3A_355, %swap3A_356, %swap3A_357], %swap3A_360 {strides = array<i32>} : memref<2x100x128xi32, #tpu.memory_space<vmem>>, vector<1x1x16xi32>,
        %get3A_361 = arith.constant 1 : i32
        %get3A_362 = arith.index_cast %get3A_361 : i32 to index
        %get3A_363 = arith.index_cast %add3A_225 : i32 to index
        %get3A_364 = arith.constant 48 : index
        %get3A_365 = tpu.vector_load %arg7[%get3A_362, %get3A_363, %get3A_364] {strides = array<i32>} : memref<2x200x64xi32, #tpu.memory_space<vmem>>, vector<1x1x16xi32>,
        %get3A_366 = vector.shape_cast %get3A_365 : vector<1x1x16xi32> to vector<16xi32>
        %get3A_367 = arith.constant 1 : i32
        %get3A_368 = arith.index_cast %get3A_367 : i32 to index
        %get3A_369 = arith.index_cast %add3A_225 : i32 to index
        %get3A_370 = arith.constant 48 : index
        %get3A_371 = tpu.vector_load %arg8[%get3A_368, %get3A_369, %get3A_370] {strides = array<i32>} : memref<2x200x64xi32, #tpu.memory_space<vmem>>, vector<1x1x16xi32>,
        %get3A_372 = vector.shape_cast %get3A_371 : vector<1x1x16xi32> to vector<16xi32>
        %shift_left3A_373 = arith.constant 16 : i32
        %shift_left3A_374 = vector.broadcast %shift_left3A_373 : i32 to vector<16xi32>
        %shift_left3A_375 = arith.shli %get3A_366, %shift_left3A_374 : vector<16xi32>
        %bitcast_convert_type3A_376 = tpu.bitcast %shift_left3A_375 : vector<16xi32> -> vector<16xf32>
        %and3A_377 = vector.broadcast %scan3A_175 : i32 to vector<16xi32>
        %and3A_378 = arith.andi %get3A_366, %and3A_377 : vector<16xi32>
        %bitcast_convert_type3A_379 = tpu.bitcast %and3A_378 : vector<16xi32> -> vector<16xf32>
        %shift_left3A_380 = arith.constant 16 : i32
        %shift_left3A_381 = vector.broadcast %shift_left3A_380 : i32 to vector<16xi32>
        %shift_left3A_382 = arith.shli %get3A_372, %shift_left3A_381 : vector<16xi32>
        %bitcast_convert_type3A_383 = tpu.bitcast %shift_left3A_382 : vector<16xi32> -> vector<16xf32>
        %and3A_384 = vector.broadcast %scan3A_175 : i32 to vector<16xi32>
        %and3A_385 = arith.andi %get3A_372, %and3A_384 : vector<16xi32>
        %bitcast_convert_type3A_386 = tpu.bitcast %and3A_385 : vector<16xi32> -> vector<16xf32>
        %mul3A_387 = arith.mulf %bitcast_convert_type3A_376, %bitcast_convert_type3A_383 : vector<16xf32>
        %bitcast_convert_type3A_388 = tpu.bitcast %mul3A_387 : vector<16xf32> -> vector<16xi32>
        %mul3A_389 = arith.mulf %bitcast_convert_type3A_379, %bitcast_convert_type3A_386 : vector<16xf32>
        %bitcast_convert_type3A_390 = tpu.bitcast %mul3A_389 : vector<16xf32> -> vector<16xi32>
        %add3A_391 = vector.broadcast %scan3A_176 : i32 to vector<16xi32>
        %add3A_392 = arith.addi %bitcast_convert_type3A_388, %add3A_391 : vector<16xi32>
        %shift_right_logical3A_393 = arith.constant 16 : i32
        %shift_right_logical3A_394 = vector.broadcast %shift_right_logical3A_393 : i32 to vector<16xi32>
        %shift_right_logical3A_395 = arith.shrui %add3A_392, %shift_right_logical3A_394 : vector<16xi32>
        %add3A_396 = vector.broadcast %scan3A_176 : i32 to vector<16xi32>
        %add3A_397 = arith.addi %bitcast_convert_type3A_390, %add3A_396 : vector<16xi32>
        %and3A_398 = vector.broadcast %scan3A_175 : i32 to vector<16xi32>
        %and3A_399 = arith.andi %add3A_397, %and3A_398 : vector<16xi32>
        %or3A_400 = arith.ori %shift_right_logical3A_395, %and3A_399 : vector<16xi32>
        %swap3A_401 = arith.constant 1 : i32
        %swap3A_402 = arith.index_cast %swap3A_401 : i32 to index
        %swap3A_403 = arith.index_cast %scan3A_221 : i32 to index
        %swap3A_404 = arith.constant 48 : index
        %swap3A_405 = tpu.vector_load %arg9[%swap3A_402, %swap3A_403, %swap3A_404] {strides = array<i32>} : memref<2x100x128xi32, #tpu.memory_space<vmem>>, vector<1x1x16xi32>,
        %swap3A_406 = vector.shape_cast %swap3A_405 : vector<1x1x16xi32> to vector<16xi32>
        %swap3A_407 = vector.shape_cast %or3A_400 : vector<16xi32> to vector<1x1x16xi32>
        tpu.vector_store %arg9[%swap3A_402, %swap3A_403, %swap3A_404], %swap3A_407 {strides = array<i32>} : memref<2x100x128xi32, #tpu.memory_space<vmem>>, vector<1x1x16xi32>,
        %mul3A_408 = arith.constant 2 : i32
        %mul3A_409 = arith.muli %scan3A_221, %mul3A_408 : i32
        %add3A_410 = arith.constant 1 : i32
        %add3A_411 = arith.addi %mul3A_409, %add3A_410 : i32
        %get3A_412 = arith.constant 1 : i32
        %get3A_413 = arith.index_cast %get3A_412 : i32 to index
        %get3A_414 = arith.index_cast %add3A_411 : i32 to index
        %get3A_415 = arith.constant 0 : index
        %get3A_416 = tpu.vector_load %arg7[%get3A_413, %get3A_414, %get3A_415] {strides = array<i32>} : memref<2x200x64xi32, #tpu.memory_space<vmem>>, vector<1x1x16xi32>,
        %get3A_417 = vector.shape_cast %get3A_416 : vector<1x1x16xi32> to vector<16xi32>
        %get3A_418 = arith.constant 1 : i32
        %get3A_419 = arith.index_cast %get3A_418 : i32 to index
        %get3A_420 = arith.index_cast %add3A_411 : i32 to index
        %get3A_421 = arith.constant 0 : index
        %get3A_422 = tpu.vector_load %arg8[%get3A_419, %get3A_420, %get3A_421] {strides = array<i32>} : memref<2x200x64xi32, #tpu.memory_space<vmem>>, vector<1x1x16xi32>,
        %get3A_423 = vector.shape_cast %get3A_422 : vector<1x1x16xi32> to vector<16xi32>
        %shift_left3A_424 = arith.constant 16 : i32
        %shift_left3A_425 = vector.broadcast %shift_left3A_424 : i32 to vector<16xi32>
        %shift_left3A_426 = arith.shli %get3A_417, %shift_left3A_425 : vector<16xi32>
        %bitcast_convert_type3A_427 = tpu.bitcast %shift_left3A_426 : vector<16xi32> -> vector<16xf32>
        %and3A_428 = vector.broadcast %scan3A_175 : i32 to vector<16xi32>
        %and3A_429 = arith.andi %get3A_417, %and3A_428 : vector<16xi32>
        %bitcast_convert_type3A_430 = tpu.bitcast %and3A_429 : vector<16xi32> -> vector<16xf32>
        %shift_left3A_431 = arith.constant 16 : i32
        %shift_left3A_432 = vector.broadcast %shift_left3A_431 : i32 to vector<16xi32>
        %shift_left3A_433 = arith.shli %get3A_423, %shift_left3A_432 : vector<16xi32>
        %bitcast_convert_type3A_434 = tpu.bitcast %shift_left3A_433 : vector<16xi32> -> vector<16xf32>
        %and3A_435 = vector.broadcast %scan3A_175 : i32 to vector<16xi32>
        %and3A_436 = arith.andi %get3A_423, %and3A_435 : vector<16xi32>
        %bitcast_convert_type3A_437 = tpu.bitcast %and3A_436 : vector<16xi32> -> vector<16xf32>
        %mul3A_438 = arith.mulf %bitcast_convert_type3A_427, %bitcast_convert_type3A_434 : vector<16xf32>
        %bitcast_convert_type3A_439 = tpu.bitcast %mul3A_438 : vector<16xf32> -> vector<16xi32>
        %mul3A_440 = arith.mulf %bitcast_convert_type3A_430, %bitcast_convert_type3A_437 : vector<16xf32>
        %bitcast_convert_type3A_441 = tpu.bitcast %mul3A_440 : vector<16xf32> -> vector<16xi32>
        %add3A_442 = vector.broadcast %scan3A_176 : i32 to vector<16xi32>
        %add3A_443 = arith.addi %bitcast_convert_type3A_439, %add3A_442 : vector<16xi32>
        %shift_right_logical3A_444 = arith.constant 16 : i32
        %shift_right_logical3A_445 = vector.broadcast %shift_right_logical3A_444 : i32 to vector<16xi32>
        %shift_right_logical3A_446 = arith.shrui %add3A_443, %shift_right_logical3A_445 : vector<16xi32>
        %add3A_447 = vector.broadcast %scan3A_176 : i32 to vector<16xi32>
        %add3A_448 = arith.addi %bitcast_convert_type3A_441, %add3A_447 : vector<16xi32>
        %and3A_449 = vector.broadcast %scan3A_175 : i32 to vector<16xi32>
        %and3A_450 = arith.andi %add3A_448, %and3A_449 : vector<16xi32>
        %or3A_451 = arith.ori %shift_right_logical3A_446, %and3A_450 : vector<16xi32>
        %swap3A_452 = arith.constant 1 : i32
        %swap3A_453 = arith.index_cast %swap3A_452 : i32 to index
        %swap3A_454 = arith.index_cast %scan3A_221 : i32 to index
        %swap3A_455 = arith.constant 64 : index
        %swap3A_456 = tpu.vector_load %arg9[%swap3A_453, %swap3A_454, %swap3A_455] {strides = array<i32>} : memref<2x100x128xi32, #tpu.memory_space<vmem>>, vector<1x1x16xi32>,
        %swap3A_457 = vector.shape_cast %swap3A_456 : vector<1x1x16xi32> to vector<16xi32>
        %swap3A_458 = vector.shape_cast %or3A_451 : vector<16xi32> to vector<1x1x16xi32>
        tpu.vector_store %arg9[%swap3A_453, %swap3A_454, %swap3A_455], %swap3A_458 {strides = array<i32>} : memref<2x100x128xi32, #tpu.memory_space<vmem>>, vector<1x1x16xi32>,
        %get3A_459 = arith.constant 1 : i32
        %get3A_460 = arith.index_cast %get3A_459 : i32 to index
        %get3A_461 = arith.index_cast %add3A_411 : i32 to index
        %get3A_462 = arith.constant 16 : index
        %get3A_463 = tpu.vector_load %arg7[%get3A_460, %get3A_461, %get3A_462] {strides = array<i32>} : memref<2x200x64xi32, #tpu.memory_space<vmem>>, vector<1x1x16xi32>,
        %get3A_464 = vector.shape_cast %get3A_463 : vector<1x1x16xi32> to vector<16xi32>
        %get3A_465 = arith.constant 1 : i32
        %get3A_466 = arith.index_cast %get3A_465 : i32 to index
        %get3A_467 = arith.index_cast %add3A_411 : i32 to index
        %get3A_468 = arith.constant 16 : index
        %get3A_469 = tpu.vector_load %arg8[%get3A_466, %get3A_467, %get3A_468] {strides = array<i32>} : memref<2x200x64xi32, #tpu.memory_space<vmem>>, vector<1x1x16xi32>,
        %get3A_470 = vector.shape_cast %get3A_469 : vector<1x1x16xi32> to vector<16xi32>
        %shift_left3A_471 = arith.constant 16 : i32
        %shift_left3A_472 = vector.broadcast %shift_left3A_471 : i32 to vector<16xi32>
        %shift_left3A_473 = arith.shli %get3A_464, %shift_left3A_472 : vector<16xi32>
        %bitcast_convert_type3A_474 = tpu.bitcast %shift_left3A_473 : vector<16xi32> -> vector<16xf32>
        %and3A_475 = vector.broadcast %scan3A_175 : i32 to vector<16xi32>
        %and3A_476 = arith.andi %get3A_464, %and3A_475 : vector<16xi32>
        %bitcast_convert_type3A_477 = tpu.bitcast %and3A_476 : vector<16xi32> -> vector<16xf32>
        %shift_left3A_478 = arith.constant 16 : i32
        %shift_left3A_479 = vector.broadcast %shift_left3A_478 : i32 to vector<16xi32>
        %shift_left3A_480 = arith.shli %get3A_470, %shift_left3A_479 : vector<16xi32>
        %bitcast_convert_type3A_481 = tpu.bitcast %shift_left3A_480 : vector<16xi32> -> vector<16xf32>
        %and3A_482 = vector.broadcast %scan3A_175 : i32 to vector<16xi32>
        %and3A_483 = arith.andi %get3A_470, %and3A_482 : vector<16xi32>
        %bitcast_convert_type3A_484 = tpu.bitcast %and3A_483 : vector<16xi32> -> vector<16xf32>
        %mul3A_485 = arith.mulf %bitcast_convert_type3A_474, %bitcast_convert_type3A_481 : vector<16xf32>
        %bitcast_convert_type3A_486 = tpu.bitcast %mul3A_485 : vector<16xf32> -> vector<16xi32>
        %mul3A_487 = arith.mulf %bitcast_convert_type3A_477, %bitcast_convert_type3A_484 : vector<16xf32>
        %bitcast_convert_type3A_488 = tpu.bitcast %mul3A_487 : vector<16xf32> -> vector<16xi32>
        %add3A_489 = vector.broadcast %scan3A_176 : i32 to vector<16xi32>
        %add3A_490 = arith.addi %bitcast_convert_type3A_486, %add3A_489 : vector<16xi32>
        %shift_right_logical3A_491 = arith.constant 16 : i32
        %shift_right_logical3A_492 = vector.broadcast %shift_right_logical3A_491 : i32 to vector<16xi32>
        %shift_right_logical3A_493 = arith.shrui %add3A_490, %shift_right_logical3A_492 : vector<16xi32>
        %add3A_494 = vector.broadcast %scan3A_176 : i32 to vector<16xi32>
        %add3A_495 = arith.addi %bitcast_convert_type3A_488, %add3A_494 : vector<16xi32>
        %and3A_496 = vector.broadcast %scan3A_175 : i32 to vector<16xi32>
        %and3A_497 = arith.andi %add3A_495, %and3A_496 : vector<16xi32>
        %or3A_498 = arith.ori %shift_right_logical3A_493, %and3A_497 : vector<16xi32>
        %swap3A_499 = arith.constant 1 : i32
        %swap3A_500 = arith.index_cast %swap3A_499 : i32 to index
        %swap3A_501 = arith.index_cast %scan3A_221 : i32 to index
        %swap3A_502 = arith.constant 80 : index
        %swap3A_503 = tpu.vector_load %arg9[%swap3A_500, %swap3A_501, %swap3A_502] {strides = array<i32>} : memref<2x100x128xi32, #tpu.memory_space<vmem>>, vector<1x1x16xi32>,
        %swap3A_504 = vector.shape_cast %swap3A_503 : vector<1x1x16xi32> to vector<16xi32>
        %swap3A_505 = vector.shape_cast %or3A_498 : vector<16xi32> to vector<1x1x16xi32>
        tpu.vector_store %arg9[%swap3A_500, %swap3A_501, %swap3A_502], %swap3A_505 {strides = array<i32>} : memref<2x100x128xi32, #tpu.memory_space<vmem>>, vector<1x1x16xi32>,
        %get3A_506 = arith.constant 1 : i32
        %get3A_507 = arith.index_cast %get3A_506 : i32 to index
        %get3A_508 = arith.index_cast %add3A_411 : i32 to index
        %get3A_509 = arith.constant 32 : index
        %get3A_510 = tpu.vector_load %arg7[%get3A_507, %get3A_508, %get3A_509] {strides = array<i32>} : memref<2x200x64xi32, #tpu.memory_space<vmem>>, vector<1x1x16xi32>,
        %get3A_511 = vector.shape_cast %get3A_510 : vector<1x1x16xi32> to vector<16xi32>
        %get3A_512 = arith.constant 1 : i32
        %get3A_513 = arith.index_cast %get3A_512 : i32 to index
        %get3A_514 = arith.index_cast %add3A_411 : i32 to index
        %get3A_515 = arith.constant 32 : index
        %get3A_516 = tpu.vector_load %arg8[%get3A_513, %get3A_514, %get3A_515] {strides = array<i32>} : memref<2x200x64xi32, #tpu.memory_space<vmem>>, vector<1x1x16xi32>,
        %get3A_517 = vector.shape_cast %get3A_516 : vector<1x1x16xi32> to vector<16xi32>
        %shift_left3A_518 = arith.constant 16 : i32
        %shift_left3A_519 = vector.broadcast %shift_left3A_518 : i32 to vector<16xi32>
        %shift_left3A_520 = arith.shli %get3A_511, %shift_left3A_519 : vector<16xi32>
        %bitcast_convert_type3A_521 = tpu.bitcast %shift_left3A_520 : vector<16xi32> -> vector<16xf32>
        %and3A_522 = vector.broadcast %scan3A_175 : i32 to vector<16xi32>
        %and3A_523 = arith.andi %get3A_511, %and3A_522 : vector<16xi32>
        %bitcast_convert_type3A_524 = tpu.bitcast %and3A_523 : vector<16xi32> -> vector<16xf32>
        %shift_left3A_525 = arith.constant 16 : i32
        %shift_left3A_526 = vector.broadcast %shift_left3A_525 : i32 to vector<16xi32>
        %shift_left3A_527 = arith.shli %get3A_517, %shift_left3A_526 : vector<16xi32>
        %bitcast_convert_type3A_528 = tpu.bitcast %shift_left3A_527 : vector<16xi32> -> vector<16xf32>
        %and3A_529 = vector.broadcast %scan3A_175 : i32 to vector<16xi32>
        %and3A_530 = arith.andi %get3A_517, %and3A_529 : vector<16xi32>
        %bitcast_convert_type3A_531 = tpu.bitcast %and3A_530 : vector<16xi32> -> vector<16xf32>
        %mul3A_532 = arith.mulf %bitcast_convert_type3A_521, %bitcast_convert_type3A_528 : vector<16xf32>
        %bitcast_convert_type3A_533 = tpu.bitcast %mul3A_532 : vector<16xf32> -> vector<16xi32>
        %mul3A_534 = arith.mulf %bitcast_convert_type3A_524, %bitcast_convert_type3A_531 : vector<16xf32>
        %bitcast_convert_type3A_535 = tpu.bitcast %mul3A_534 : vector<16xf32> -> vector<16xi32>
        %add3A_536 = vector.broadcast %scan3A_176 : i32 to vector<16xi32>
        %add3A_537 = arith.addi %bitcast_convert_type3A_533, %add3A_536 : vector<16xi32>
        %shift_right_logical3A_538 = arith.constant 16 : i32
        %shift_right_logical3A_539 = vector.broadcast %shift_right_logical3A_538 : i32 to vector<16xi32>
        %shift_right_logical3A_540 = arith.shrui %add3A_537, %shift_right_logical3A_539 : vector<16xi32>
        %add3A_541 = vector.broadcast %scan3A_176 : i32 to vector<16xi32>
        %add3A_542 = arith.addi %bitcast_convert_type3A_535, %add3A_541 : vector<16xi32>
        %and3A_543 = vector.broadcast %scan3A_175 : i32 to vector<16xi32>
        %and3A_544 = arith.andi %add3A_542, %and3A_543 : vector<16xi32>
        %or3A_545 = arith.ori %shift_right_logical3A_540, %and3A_544 : vector<16xi32>
        %swap3A_546 = arith.constant 1 : i32
        %swap3A_547 = arith.index_cast %swap3A_546 : i32 to index
        %swap3A_548 = arith.index_cast %scan3A_221 : i32 to index
        %swap3A_549 = arith.constant 96 : index
        %swap3A_550 = tpu.vector_load %arg9[%swap3A_547, %swap3A_548, %swap3A_549] {strides = array<i32>} : memref<2x100x128xi32, #tpu.memory_space<vmem>>, vector<1x1x16xi32>,
        %swap3A_551 = vector.shape_cast %swap3A_550 : vector<1x1x16xi32> to vector<16xi32>
        %swap3A_552 = vector.shape_cast %or3A_545 : vector<16xi32> to vector<1x1x16xi32>
        tpu.vector_store %arg9[%swap3A_547, %swap3A_548, %swap3A_549], %swap3A_552 {strides = array<i32>} : memref<2x100x128xi32, #tpu.memory_space<vmem>>, vector<1x1x16xi32>,
        %get3A_553 = arith.constant 1 : i32
        %get3A_554 = arith.index_cast %get3A_553 : i32 to index
        %get3A_555 = arith.index_cast %add3A_411 : i32 to index
        %get3A_556 = arith.constant 48 : index
        %get3A_557 = tpu.vector_load %arg7[%get3A_554, %get3A_555, %get3A_556] {strides = array<i32>} : memref<2x200x64xi32, #tpu.memory_space<vmem>>, vector<1x1x16xi32>,
        %get3A_558 = vector.shape_cast %get3A_557 : vector<1x1x16xi32> to vector<16xi32>
        %get3A_559 = arith.constant 1 : i32
        %get3A_560 = arith.index_cast %get3A_559 : i32 to index
        %get3A_561 = arith.index_cast %add3A_411 : i32 to index
        %get3A_562 = arith.constant 48 : index
        %get3A_563 = tpu.vector_load %arg8[%get3A_560, %get3A_561, %get3A_562] {strides = array<i32>} : memref<2x200x64xi32, #tpu.memory_space<vmem>>, vector<1x1x16xi32>,
        %get3A_564 = vector.shape_cast %get3A_563 : vector<1x1x16xi32> to vector<16xi32>
        %shift_left3A_565 = arith.constant 16 : i32
        %shift_left3A_566 = vector.broadcast %shift_left3A_565 : i32 to vector<16xi32>
        %shift_left3A_567 = arith.shli %get3A_558, %shift_left3A_566 : vector<16xi32>
        %bitcast_convert_type3A_568 = tpu.bitcast %shift_left3A_567 : vector<16xi32> -> vector<16xf32>
        %and3A_569 = vector.broadcast %scan3A_175 : i32 to vector<16xi32>
        %and3A_570 = arith.andi %get3A_558, %and3A_569 : vector<16xi32>
        %bitcast_convert_type3A_571 = tpu.bitcast %and3A_570 : vector<16xi32> -> vector<16xf32>
        %shift_left3A_572 = arith.constant 16 : i32
        %shift_left3A_573 = vector.broadcast %shift_left3A_572 : i32 to vector<16xi32>
        %shift_left3A_574 = arith.shli %get3A_564, %shift_left3A_573 : vector<16xi32>
        %bitcast_convert_type3A_575 = tpu.bitcast %shift_left3A_574 : vector<16xi32> -> vector<16xf32>
        %and3A_576 = vector.broadcast %scan3A_175 : i32 to vector<16xi32>
        %and3A_577 = arith.andi %get3A_564, %and3A_576 : vector<16xi32>
        %bitcast_convert_type3A_578 = tpu.bitcast %and3A_577 : vector<16xi32> -> vector<16xf32>
        %mul3A_579 = arith.mulf %bitcast_convert_type3A_568, %bitcast_convert_type3A_575 : vector<16xf32>
        %bitcast_convert_type3A_580 = tpu.bitcast %mul3A_579 : vector<16xf32> -> vector<16xi32>
        %mul3A_581 = arith.mulf %bitcast_convert_type3A_571, %bitcast_convert_type3A_578 : vector<16xf32>
        %bitcast_convert_type3A_582 = tpu.bitcast %mul3A_581 : vector<16xf32> -> vector<16xi32>
        %add3A_583 = vector.broadcast %scan3A_176 : i32 to vector<16xi32>
        %add3A_584 = arith.addi %bitcast_convert_type3A_580, %add3A_583 : vector<16xi32>
        %shift_right_logical3A_585 = arith.constant 16 : i32
        %shift_right_logical3A_586 = vector.broadcast %shift_right_logical3A_585 : i32 to vector<16xi32>
        %shift_right_logical3A_587 = arith.shrui %add3A_584, %shift_right_logical3A_586 : vector<16xi32>
        %add3A_588 = vector.broadcast %scan3A_176 : i32 to vector<16xi32>
        %add3A_589 = arith.addi %bitcast_convert_type3A_582, %add3A_588 : vector<16xi32>
        %and3A_590 = vector.broadcast %scan3A_175 : i32 to vector<16xi32>
        %and3A_591 = arith.andi %add3A_589, %and3A_590 : vector<16xi32>
        %or3A_592 = arith.ori %shift_right_logical3A_587, %and3A_591 : vector<16xi32>
        %swap3A_593 = arith.constant 1 : i32
        %swap3A_594 = arith.index_cast %swap3A_593 : i32 to index
        %swap3A_595 = arith.index_cast %scan3A_221 : i32 to index
        %swap3A_596 = arith.constant 112 : index
        %swap3A_597 = tpu.vector_load %arg9[%swap3A_594, %swap3A_595, %swap3A_596] {strides = array<i32>} : memref<2x100x128xi32, #tpu.memory_space<vmem>>, vector<1x1x16xi32>,
        %swap3A_598 = vector.shape_cast %swap3A_597 : vector<1x1x16xi32> to vector<16xi32>
        %swap3A_599 = vector.shape_cast %or3A_592 : vector<16xi32> to vector<1x1x16xi32>
        tpu.vector_store %arg9[%swap3A_594, %swap3A_595, %swap3A_596], %swap3A_599 {strides = array<i32>} : memref<2x100x128xi32, #tpu.memory_space<vmem>>, vector<1x1x16xi32>,
      }
      %scan3A_181 = arith.constant 100 : i32
      %add3A_182 = arith.constant 200 : i32
      %add3A_183 = arith.addi %add3A_61, %add3A_182 : i32
      %jit3A_184 = arith.constant 2 : i32
      %div3A_185 = arith.divsi %add3A_183, %jit3A_184 : i32
      %sign3A_186 = arith.constant 0 : i32
      %sign3A_187 = arith.cmpi sgt, %add3A_183, %sign3A_186 : i32
      %sign3A_188 = arith.extui %sign3A_187 : i1 to i32
      %sign3A_189 = arith.constant 0 : i32
      %sign3A_190 = arith.cmpi slt, %add3A_183, %sign3A_189 : i32
      %sign3A_191 = arith.extui %sign3A_190 : i1 to i32
      %sign3A_192 = arith.subi %sign3A_188, %sign3A_191 : i32
      %sign3A_193 = arith.constant 0 : i32
      %sign3A_194 = arith.cmpi sgt, %jit3A_184, %sign3A_193 : i32
      %sign3A_195 = arith.extui %sign3A_194 : i1 to i32
      %sign3A_196 = arith.constant 0 : i32
      %sign3A_197 = arith.cmpi slt, %jit3A_184, %sign3A_196 : i32
      %sign3A_198 = arith.extui %sign3A_197 : i1 to i32
      %sign3A_199 = arith.subi %sign3A_195, %sign3A_198 : i32
      %ne3A_200 = arith.cmpi ne, %sign3A_192, %sign3A_199 : i32
      %rem3A_201 = arith.remsi %add3A_183, %jit3A_184 : i32
      %ne3A_202 = arith.constant 0 : i32
      %ne3A_203 = arith.cmpi ne, %rem3A_201, %ne3A_202 : i32
      %and3A_204 = arith.andi %ne3A_200, %ne3A_203 : i1
      %sub3A_205 = arith.constant 1 : i32
      %sub3A_206 = arith.subi %div3A_185, %sub3A_205 : i32
      %select_n3A_207 = arith.select %and3A_204, %sub3A_206, %div3A_185 : i32
      %dma_start3A_208 = arith.constant 1 : i32
      %dma_start3A_209 = arith.constant 0 : i32
      %dma_start3A_210 = arith.constant 0 : i32
      %dma_start3A_211 = tpu.memref_slice %arg9[%dma_start3A_208, %dma_start3A_209, %dma_start3A_210] : memref<2x100x128xi32, #tpu.memory_space<vmem>> -> memref<1x100x128xi32, #tpu.memory_space<vmem>>
      %dma_start3A_212 = tpu.memref_squeeze %dma_start3A_211 : memref<1x100x128xi32, #tpu.memory_space<vmem>> -> memref<100x128xi32, #tpu.memory_space<vmem>>
      %dma_start3A_213 = arith.constant 0 : i32
      %dma_start3A_214 = tpu.memref_slice %arg4[%select_n3A_207, %dma_start3A_213] : memref<160000x128xi32, #tpu.memory_space<hbm>> -> memref<100x128xi32, #tpu.memory_space<hbm>>
      %dma_start3A_215 = arith.constant 0 : i32
      %dma_start3A_216 = tpu.memref_slice %arg4[%select_n3A_207, %dma_start3A_215] : memref<160000x128xi32, #tpu.memory_space<hbm>> -> memref<100x128xi32, #tpu.memory_space<hbm>>
      %dma_start3A_217 = arith.constant 0 : i32
      %dma_start3A_218 = arith.constant 0 : i32
      %dma_start3A_219 = tpu.memref_slice %arg9[%dma_start3A_208, %dma_start3A_217, %dma_start3A_218] : memref<2x100x128xi32, #tpu.memory_space<vmem>> -> memref<1x100x128xi32, #tpu.memory_space<vmem>>
      %dma_start3A_220 = tpu.memref_squeeze %dma_start3A_219 : memref<1x100x128xi32, #tpu.memory_space<vmem>> -> memref<100x128xi32, #tpu.memory_space<vmem>>
      tpu.enqueue_dma source(%dma_start3A_220 : memref<100x128xi32, #tpu.memory_space<vmem>>) target(%dma_start3A_216 : memref<100x128xi32, #tpu.memory_space<hbm>>) target_semaphore(%arg13 : memref<!tpu.dma_semaphore, #tpu.memory_space<semaphore_mem>>)
    }
    %scan3A_26 = arith.constant 25 : i32
    %dma_wait3A = arith.constant 0 : i32
    %dma_wait3A_27 = arith.constant 0 : i32
    %dma_wait3A_28 = arith.constant 0 : i32
    %dma_wait3A_29 = tpu.memref_slice %arg9[%dma_wait3A, %dma_wait3A_27, %dma_wait3A_28] : memref<2x100x128xi32, #tpu.memory_space<vmem>> -> memref<1x100x128xi32, #tpu.memory_space<vmem>>
    %dma_wait3A_30 = tpu.memref_squeeze %dma_wait3A_29 : memref<1x100x128xi32, #tpu.memory_space<vmem>> -> memref<100x128xi32, #tpu.memory_space<vmem>>
    %dma_wait3A_31 = arith.constant 0 : i32
    %dma_wait3A_32 = arith.constant 0 : i32
    %dma_wait3A_33 = tpu.memref_slice %arg4[%dma_wait3A_31, %dma_wait3A_32] : memref<160000x128xi32, #tpu.memory_space<hbm>> -> memref<100x128xi32, #tpu.memory_space<hbm>>
    %dma_wait3A_34 = arith.constant 0 : i32
    %dma_wait3A_35 = arith.constant 0 : i32
    %dma_wait3A_36 = tpu.memref_slice %arg4[%dma_wait3A_34, %dma_wait3A_35] : memref<160000x128xi32, #tpu.memory_space<hbm>> -> memref<100x128xi32, #tpu.memory_space<hbm>>
    %dma_wait3A_37 = arith.constant 0 : i32
    %dma_wait3A_38 = arith.constant 0 : i32
    %dma_wait3A_39 = tpu.memref_slice %arg9[%dma_wait3A, %dma_wait3A_37, %dma_wait3A_38] : memref<2x100x128xi32, #tpu.memory_space<vmem>> -> memref<1x100x128xi32, #tpu.memory_space<vmem>>
    %dma_wait3A_40 = tpu.memref_squeeze %dma_wait3A_39 : memref<1x100x128xi32, #tpu.memory_space<vmem>> -> memref<100x128xi32, #tpu.memory_space<vmem>>
    tpu.wait_dma2 semaphore(%arg12 : memref<!tpu.dma_semaphore, #tpu.memory_space<semaphore_mem>>) src(%dma_wait3A_40 : memref<100x128xi32, #tpu.memory_space<vmem>>) dst(%dma_wait3A_36 : memref<100x128xi32, #tpu.memory_space<hbm>>)
    %dma_wait3A_41 = arith.constant 1 : i32
    %dma_wait3A_42 = arith.constant 0 : i32
    %dma_wait3A_43 = arith.constant 0 : i32
    %dma_wait3A_44 = tpu.memref_slice %arg9[%dma_wait3A_41, %dma_wait3A_42, %dma_wait3A_43] : memref<2x100x128xi32, #tpu.memory_space<vmem>> -> memref<1x100x128xi32, #tpu.memory_space<vmem>>
    %dma_wait3A_45 = tpu.memref_squeeze %dma_wait3A_44 : memref<1x100x128xi32, #tpu.memory_space<vmem>> -> memref<100x128xi32, #tpu.memory_space<vmem>>
    %dma_wait3A_46 = arith.constant 0 : i32
    %dma_wait3A_47 = arith.constant 0 : i32
    %dma_wait3A_48 = tpu.memref_slice %arg4[%dma_wait3A_46, %dma_wait3A_47] : memref<160000x128xi32, #tpu.memory_space<hbm>> -> memref<100x128xi32, #tpu.memory_space<hbm>>
    %dma_wait3A_49 = arith.constant 0 : i32
    %dma_wait3A_50 = arith.constant 0 : i32
    %dma_wait3A_51 = tpu.memref_slice %arg4[%dma_wait3A_49, %dma_wait3A_50] : memref<160000x128xi32, #tpu.memory_space<hbm>> -> memref<100x128xi32, #tpu.memory_space<hbm>>
    %dma_wait3A_52 = arith.constant 0 : i32
    %dma_wait3A_53 = arith.constant 0 : i32
    %dma_wait3A_54 = tpu.memref_slice %arg9[%dma_wait3A_41, %dma_wait3A_52, %dma_wait3A_53] : memref<2x100x128xi32, #tpu.memory_space<vmem>> -> memref<1x100x128xi32, #tpu.memory_space<vmem>>
    %dma_wait3A_55 = tpu.memref_squeeze %dma_wait3A_54 : memref<1x100x128xi32, #tpu.memory_space<vmem>> -> memref<100x128xi32, #tpu.memory_space<vmem>>
    tpu.wait_dma2 semaphore(%arg13 : memref<!tpu.dma_semaphore, #tpu.memory_space<semaphore_mem>>) src(%dma_wait3A_55 : memref<100x128xi32, #tpu.memory_space<vmem>>) dst(%dma_wait3A_51 : memref<100x128xi32, #tpu.memory_space<hbm>>)
    return
  }
}

module attributes {stable_mosaic.version = 14 : i64} {
  func.func @body(%arg0: i32, %arg1: memref<2000x128xi32, #tpu.memory_space<vmem>>, %arg2: memref<128x256xf32, #tpu.memory_space<vmem>>, %arg3: memref<128x256xf32, #tpu.memory_space<vmem>>, %arg4: memref<256x2xf32, #tpu.memory_space<vmem>>, %arg5: memref<1x256xf32, #tpu.memory_space<vmem>>, %arg6: memref<1x1xf32, #tpu.memory_space<vmem>>, %arg7: memref<2000x2xf32, #tpu.memory_space<vmem>>) attributes {dimension_semantics = [#tpu.dimension_semantics<arbitrary>], iteration_bounds = array<i64: 80>, scalar_prefetch = 0 : i64, scratch_operands = 0 : i64, tpu.core_type = #tpu.core_type<tc>, window_params = [{transform_indices = @transform_0, window_bounds = array<i64: 2000, 128>}, {pipeline_mode = #tpu.pipeline_mode<synchronous>, transform_indices = @transform_1, window_bounds = array<i64: 128, 256>}, {pipeline_mode = #tpu.pipeline_mode<synchronous>, transform_indices = @transform_2, window_bounds = array<i64: 128, 256>}, {pipeline_mode = #tpu.pipeline_mode<synchronous>, transform_indices = @transform_3, window_bounds = array<i64: 256, 2>}, {pipeline_mode = #tpu.pipeline_mode<synchronous>, transform_indices = @transform_4, window_bounds = array<i64: 1, 256>}, {pipeline_mode = #tpu.pipeline_mode<synchronous>, transform_indices = @transform_5, window_bounds = array<i64: 1, 1>}, {transform_indices = @transform_6, window_bounds = array<i64: 2000, 2>}]} {
    %get3A = arith.constant 0 : index
    %get3A_0 = arith.constant 0 : index
    %get3A_1 = vector.load %arg1[%get3A, %get3A_0] : memref<2000x128xi32, #tpu.memory_space<vmem>>, vector<2000x128xi32>
    %shift_left3A = arith.constant 16 : i32
    %shift_left3A_2 = vector.broadcast %shift_left3A : i32 to vector<2000x128xi32>
    %shift_left3A_3 = arith.shli %get3A_1, %shift_left3A_2 : vector<2000x128xi32>
    %bitcast_convert_type3A = tpu.bitcast %shift_left3A_3 : vector<2000x128xi32> -> vector<2000x128xf32>
    %and3A = arith.constant -65536 : i32
    %and3A_4 = vector.broadcast %and3A : i32 to vector<2000x128xi32>
    %and3A_5 = arith.andi %get3A_1, %and3A_4 : vector<2000x128xi32>
    %bitcast_convert_type3A_6 = tpu.bitcast %and3A_5 : vector<2000x128xi32> -> vector<2000x128xf32>
    %get3A_7 = arith.constant 0 : index
    %get3A_8 = arith.constant 0 : index
    %get3A_9 = vector.load %arg2[%get3A_7, %get3A_8] : memref<128x256xf32, #tpu.memory_space<vmem>>, vector<128x256xf32>
    %dot_general3A = arith.constant dense<0.000000e+00> : vector<2000x256xf32>
    %dot_general3A_10 = tpu.matmul %bitcast_convert_type3A, %get3A_9, %dot_general3A {dimension_numbers = #tpu.dot_dimension_numbers<[1], [0], [0], [1], [0, 0, 1, 1], [], []>, transpose_lhs_hint = false} : vector<2000x128xf32>, vector<128x256xf32>, vector<2000x256xf32> -> vector<2000x256xf32>
    %get3A_11 = arith.constant 0 : index
    %get3A_12 = arith.constant 0 : index
    %get3A_13 = vector.load %arg3[%get3A_11, %get3A_12] : memref<128x256xf32, #tpu.memory_space<vmem>>, vector<128x256xf32>
    %dot_general3A_14 = arith.constant dense<0.000000e+00> : vector<2000x256xf32>
    %dot_general3A_15 = tpu.matmul %bitcast_convert_type3A_6, %get3A_13, %dot_general3A_14 {dimension_numbers = #tpu.dot_dimension_numbers<[1], [0], [0], [1], [0, 0, 1, 1], [], []>, transpose_lhs_hint = false} : vector<2000x128xf32>, vector<128x256xf32>, vector<2000x256xf32> -> vector<2000x256xf32>
    %add3A = arith.addf %dot_general3A_10, %dot_general3A_15 : vector<2000x256xf32>
    %get3A_16 = arith.constant 0 : index
    %get3A_17 = arith.constant 0 : index
    %get3A_18 = vector.load %arg5[%get3A_16, %get3A_17] : memref<1x256xf32, #tpu.memory_space<vmem>>, vector<1x256xf32>
    %add3A_19 = vector.broadcast %get3A_18 : vector<1x256xf32> to vector<2000x256xf32>
    %add3A_20 = arith.addf %add3A, %add3A_19 : vector<2000x256xf32>
    %max3A = arith.constant 0.000000e+00 : f32
    %max3A_21 = vector.broadcast %max3A : f32 to vector<2000x256xf32>
    %max3A_22 = arith.maximumf %add3A_20, %max3A_21 : vector<2000x256xf32>
    %get3A_23 = arith.constant 0 : index
    %get3A_24 = arith.constant 0 : index
    %get3A_25 = vector.load %arg4[%get3A_23, %get3A_24] : memref<256x2xf32, #tpu.memory_space<vmem>>, vector<256x2xf32>
    %dot_general3A_26 = arith.constant dense<0.000000e+00> : vector<2000x2xf32>
    %dot_general3A_27 = tpu.matmul %max3A_22, %get3A_25, %dot_general3A_26 {dimension_numbers = #tpu.dot_dimension_numbers<[1], [0], [0], [1], [0, 0, 1, 1], [], []>, transpose_lhs_hint = false} : vector<2000x256xf32>, vector<256x2xf32>, vector<2000x2xf32> -> vector<2000x2xf32>
    %get3A_28 = arith.constant 0 : index
    %get3A_29 = arith.constant 0 : index
    %get3A_30 = vector.load %arg6[%get3A_28, %get3A_29] : memref<1x1xf32, #tpu.memory_space<vmem>>, vector<1x1xf32>
    %add3A_31 = vector.broadcast %get3A_30 : vector<1x1xf32> to vector<2000x2xf32>
    %add3A_32 = arith.addf %dot_general3A_27, %add3A_31 : vector<2000x2xf32>
    %neg3A = arith.constant 0.000000e+00 : f32
    %neg3A_33 = vector.broadcast %neg3A : f32 to vector<2000x2xf32>
    %neg3A_34 = arith.subf %neg3A_33, %add3A_32 : vector<2000x2xf32>
    %exp3A = math.exp %neg3A_34 : vector<2000x2xf32>
    %add3A_35 = arith.constant 1.000000e+00 : f32
    %add3A_36 = vector.broadcast %add3A_35 : f32 to vector<2000x2xf32>
    %add3A_37 = arith.addf %add3A_36, %exp3A : vector<2000x2xf32>
    %div3A = arith.constant 1.000000e+00 : f32
    %div3A_38 = vector.broadcast %div3A : f32 to vector<2000x2xf32>
    %div3A_39 = arith.divf %div3A_38, %add3A_37 : vector<2000x2xf32>
    %swap3A = arith.constant 0 : index
    %swap3A_40 = arith.constant 0 : index
    %swap3A_41 = vector.load %arg7[%swap3A, %swap3A_40] : memref<2000x2xf32, #tpu.memory_space<vmem>>, vector<2000x2xf32>
    tpu.vector_store %arg7[%swap3A, %swap3A_40], %div3A_39 {strides = array<i32>} : memref<2000x2xf32, #tpu.memory_space<vmem>>, vector<2000x2xf32>,
    return
  }
  func.func @transform_0(%arg0: i32) -> (i32, i32) {
    %c0_i32 = arith.constant 0 : i32
    %c0_i32_0 = arith.constant 0 : i32
    return %arg0, %c0_i32 : i32, i32
  }
  func.func @transform_1(%arg0: i32) -> (i32, i32) {
    %c0_i32 = arith.constant 0 : i32
    %c0_i32_0 = arith.constant 0 : i32
    %c0_i32_1 = arith.constant 0 : i32
    return %c0_i32, %c0_i32_0 : i32, i32
  }
  func.func @transform_2(%arg0: i32) -> (i32, i32) {
    %c0_i32 = arith.constant 0 : i32
    %c0_i32_0 = arith.constant 0 : i32
    %c0_i32_1 = arith.constant 0 : i32
    return %c0_i32, %c0_i32_0 : i32, i32
  }
  func.func @transform_3(%arg0: i32) -> (i32, i32) {
    %c0_i32 = arith.constant 0 : i32
    %c0_i32_0 = arith.constant 0 : i32
    %c0_i32_1 = arith.constant 0 : i32
    return %c0_i32, %c0_i32_0 : i32, i32
  }
  func.func @transform_4(%arg0: i32) -> (i32, i32) {
    %c0_i32 = arith.constant 0 : i32
    %c0_i32_0 = arith.constant 0 : i32
    %c0_i32_1 = arith.constant 0 : i32
    return %c0_i32, %c0_i32_0 : i32, i32
  }
  func.func @transform_5(%arg0: i32) -> (i32, i32) {
    %c0_i32 = arith.constant 0 : i32
    %c0_i32_0 = arith.constant 0 : i32
    %c0_i32_1 = arith.constant 0 : i32
    return %c0_i32, %c0_i32_0 : i32, i32
  }
  func.func @transform_6(%arg0: i32) -> (i32, i32) {
    %c0_i32 = arith.constant 0 : i32
    %c0_i32_0 = arith.constant 0 : i32
    return %arg0, %c0_i32 : i32, i32
  }
}

</mosaic_0001>

<sc_bundles>
// kernel: kernel.4.cloned.1.call-start
scs
__scs_entry_jumppad:
0x0: {  	(pc) =	sbr.rel $0x88, $3  }
0x1: {  	(tag) =	ssettag $0x0;
	lr =	simm.s32 $0x1  }
0x2: {  	[smem:$0x3F9B] =	sst lr;
	_ =	strace $0xD0000000  }
0x3: {  	_ = 	snop  }
0x4: {  	_ = 	snop  }
0x5: {  	_ = 	snop  }
0x6: {  	_ = 	snop  }
0x7: {  	_ = 	snop  }
__scs_overlays_trampoline_lowered:
0x8: {  	[smem:$0x3FAA] =	sst s0  }
0x9: {  	[smem:$0x3FAB] =	sst s1  }
0xa: {  	[smem:$0x3FAC] =	sst s2  }
0xb: {  	[smem:$0x3FAD] =	sst s3  }
0xc: {  	[smem:$0x3FAE] =	sst s4  }
0xd: {  	[smem:$0x3FAF] =	sst s5  }
0xe: {  	[smem:$0x3FB0] =	sst s6  }
0xf: {  	[smem:$0x3FB1] =	sst s7  }
0x10: {  	[smem:$0x3FB2] =	sst s8  }
0x11: {  	[smem:$0x3FB3] =	sst s9;
	s0 =	simm.s32 @!p0 $0x0  }
0x12: {  	s1 =	sld [smem:$0x3F99];
	s0 =	simm.s32 @p0 $0x1  }
0x13: {  	[smem:$0x3FB4] =	sst s0;
	s0 =	simm.s32 @!p1 $0x0  }
0x14: {  	s2 =	sld [smem:$0x3F98];
	s0 =	simm.s32 @p1 $0x1  }
0x15: {  	[smem:$0x3FB5] =	sst s0;
	s0 =	simm.s32 @!p2 $0x0  }
0x16: {  	s3 =	sld [smem:$0x3FDB];
	s0 =	simm.s32 @p2 $0x1  }
0x17: {  	s4 =	simm.s32 $0x1BF5;
	[smem:$0x3FB7] =	sst s0  }
0x18: {  	s0 =	sld [smem:$0x3F9A];
	_ =	swait.ge [sflag:s4], $0x0  }
0x19: {  	s7 =	sld [smem:$0x3F9B]  }
0x1a: {  	s8 =	sadd.s32 $0xFFFFE003, lr  }
0x1b: {  	s9 =	sadd.s32 $0xFFFFFEF7, lr;
	s5 =	simm.s32 $0xFFFFFFFF;
	p2 =	slt.u32 s8, $0xFFFFF086  }
0x1c: {  	p1 =	slt.u32 s9, $0xF7A;
	s5 =	simm.s32 @!p2 $0x0  }
0x1d: {  	s5 =	simm.s32 @p1 $0x1;
	p0 =	seq.s32 s7, s2  }
0x1e: {  	s7 =	smul.u32 @!p0 $0xF7A, s2;
	p2 =	seq.s32 @!p0 s5, $0x0  }
0x1f: {  	s9 =	smul.u32 $0xF7A, s1;
	s8 =	simm.s32 @!p0 $0x1BF5;
	p2 =	por !p2, p0  }
0x20: {  	[sflag:s8] =	ssyncset.s32 @!p0 $0xFFFFF086;
	s6 =	sadd.s32 @!p0 s3, s7;
	s7 =	simm.s32 @!p0 $0x108  }
0x21: {  	s3 =	sadd.s32 s3, s9;
	s6 =	sadd.s32 @!p0 $0x88, s6;
	s7 =	simm.s32 @p2 $0x1082  }
0x22: {  	[simem:s7], [sflag:s8] =	dma.local @!p0 [hbm:s6], $0xF7A  }
0x23: {  	s9 =	sor.u32 $0xD0000000, s2;
	s6 =	simm.s32 $0x108;
	_ =	swait.ge @!p0 [sflag:s8], $0x0  }
0x24: {  	s3 =	sadd.s32 $0x88, s3;
	s6 =	simm.s32 @!p1 $0x1082;
	[sflag:s4] =	ssyncset.s32 $0xFFFFF086  }
0x25: {  	[simem:s6], [sflag:s4] =	dma.local [hbm:s3], $0xF7A  }
0x26: {  	[smem:$0x3F9B] =	sst s1;
	(tag) =	ssettag s2;
	_ =	strace s9  }
0x27: {  	s1 =	sld [smem:$0x3FAB]  }
0x28: {  	s2 =	sld [smem:$0x3FAC]  }
0x29: {  	s4 =	sld [smem:$0x3FAE]  }
0x2a: {  	p0 =	seq.s32 s5, $0x0;
	s5 =	sld [smem:$0x3FAF]  }
0x2b: {  	s6 =	sld [smem:$0x3FB0]  }
0x2c: {  	s7 =	sld [smem:$0x3FB1]  }
0x2d: {  	s3 =	simm.s32 $0x108;
	s8 =	sld [smem:$0x3FB2]  }
0x2e: {  	s3 =	simm.s32 @!p0 $0x1082;
	s9 =	sld [smem:$0x3FB3]  }
0x2f: {  	lr =	sadd.s32 s0, s3;
	s0 =	sld [smem:$0x3FAA]  }
0x30: {  	s3 =	sld [smem:$0x3FAD]  }
0x31: {  	[smem:$0x3FB6] =	sst s10  }
0x32: {  	s10 =	sld [smem:$0x3FB4];
	_ =	sdelay $0x3  }
0x33: {  	p0 =	seq.s32 s10, $0x1;
	s10 =	sld [smem:$0x3FB6];
	_ =	sdelay $0x3  }
0x34: {  	[smem:$0x3FB6] =	sst s10  }
0x35: {  	s10 =	sld [smem:$0x3FB5];
	_ =	sdelay $0x3  }
0x36: {  	p1 =	seq.s32 s10, $0x1;
	s10 =	sld [smem:$0x3FB6];
	_ =	sdelay $0x3  }
0x37: {  	[smem:$0x3FB6] =	sst s10  }
0x38: {  	s10 =	sld [smem:$0x3FB7]  }
0x39: {  	_ = 	snop;
	(pc) =	sbr.ind lr, $3  }
0x3a: {  	_ = 	snop  }
0x3b: {  	_ = 	snop  }
0x3c: {  	p2 =	seq.s32 s10, $0x1;
	s10 =	sld [smem:$0x3FB6]  }
0x3d: {  	_ =	shalt  }
0x3e: {  	_ =	shalt  }
0x3f: {  	_ =	shalt  }
0x40: {  	_ =	shalt  }
0x41: {  	_ =	shalt  }
0x42: {  	_ =	shalt  }
0x43: {  	_ =	shalt  }
0x44: {  	_ =	shalt  }
0x45: {  	_ =	shalt  }
0x46: {  	_ =	shalt  }
0x47: {  	_ =	shalt  }
0x48: {  	_ =	shalt  }
0x49: {  	_ =	shalt  }
0x4a: {  	_ =	shalt  }
0x4b: {  	_ =	shalt  }
0x4c: {  	_ =	shalt  }
0x4d: {  	_ =	shalt  }
0x4e: {  	_ =	shalt  }
0x4f: {  	_ =	shalt  }
0x50: {  	_ =	shalt  }
0x51: {  	_ =	shalt  }
0x52: {  	_ =	shalt  }
0x53: {  	_ =	shalt  }
0x54: {  	_ =	shalt  }
0x55: {  	_ =	shalt  }
0x56: {  	_ =	shalt  }
0x57: {  	_ =	shalt  }
0x58: {  	_ =	shalt  }
0x59: {  	_ =	shalt  }
0x5a: {  	_ =	shalt  }
0x5b: {  	_ =	shalt  }
0x5c: {  	_ =	shalt  }
0x5d: {  	_ =	shalt  }
0x5e: {  	_ =	shalt  }
0x5f: {  	_ =	shalt  }
0x60: {  	_ =	shalt  }
0x61: {  	_ =	shalt  }
0x62: {  	_ =	shalt  }
0x63: {  	_ =	shalt  }
0x64: {  	_ =	shalt  }
0x65: {  	_ =	shalt  }
0x66: {  	_ =	shalt  }
0x67: {  	_ =	shalt  }
0x68: {  	_ =	shalt  }
0x69: {  	_ =	shalt  }
0x6a: {  	_ =	shalt  }
0x6b: {  	_ =	shalt  }
0x6c: {  	_ =	shalt  }
0x6d: {  	_ =	shalt  }
0x6e: {  	_ =	shalt  }
0x6f: {  	_ =	shalt  }
0x70: {  	_ =	shalt  }
0x71: {  	_ =	shalt  }
0x72: {  	_ =	shalt  }
0x73: {  	_ =	shalt  }
0x74: {  	_ =	shalt  }
0x75: {  	_ =	shalt  }
0x76: {  	_ =	shalt  }
0x77: {  	_ =	shalt  }
0x78: {  	_ =	shalt  }
0x79: {  	_ =	shalt  }
0x7a: {  	_ =	shalt  }
0x7b: {  	_ =	shalt  }
0x7c: {  	_ =	shalt  }
0x7d: {  	_ =	shalt  }
0x7e: {  	_ =	shalt  }
0x7f: {  	_ =	shalt  }
0x80: {  	_ =	shalt  }
0x81: {  	_ =	shalt  }
0x82: {  	_ =	shalt  }
0x83: {  	_ =	shalt  }
0x84: {  	_ =	shalt  }
0x85: {  	_ =	shalt  }
0x86: {  	_ =	shalt  }
0x87: {  	_ =	shalt  }
.Lfunc_end0:
.L_simem_size_0:
called_computation_lowered:
.L_overlay_start_0:
0x88: {  	s2 =	sld [smem:$0x3FD9]  }
0x89: {  	s3 =	sld [smem:$0x3FFE];
	_ =	sdelay $0x1  }
0x8a: {  	s1 =	srdreg.scid  }
0x8b: {  	s0 =	sand.u32 $0x1, s1  }
0x8c: {  	s16 =	sshll.u32 s0, $0xA;
	s2 =	sadd.s32 s3, s2  }
0x8d: {  	s2 =	sadd.s32 s2, s16  }
0x8e: {  	[smem:$0x3FC2] =	sst s2  }
0x8f: {  	_ = 	snop  }
0x90: {  	(tm) =	ssettm $0x1  }
0x91: {  	s17 =	sld [smem:$0x3FFB];
	_ =	sdelay $0x3  }
0x92: {  	_ =	strace s17  }
0x93: {  	s2 =	sld [smem:$0x3FFC];
	_ =	sdelay $0x3  }
0x94: {  	_ =	strace s2  }
0x95: {  	s2 =	sld [smem:$0x3FFD];
	_ =	sdelay $0x3  }
0x96: {  	_ =	strace s2  }
0x97: {  	_ =	strace $0x8FFFFFFF  }
0x98: {  	s18 =	sld [smem:$0x3FDB];
	_ =	sdelay $0x1  }
0x99: {  	s19 =	simm.s32 $_scs_section_size  }
0x9a: {  	s4 =	simm.s32 $_size__tile_overlayer_lowered;
	s5 =	simm.s32 $_tile_overlayer_lowered  }
0x9b: {  	s22 =	simm.s32 $0x1BFF;
	s21 =	sshll.u32 s5, $0x1;
	s2 =	sadd.s32 s19, s18  }
0x9c: {  	s6 =	simm.s32 $0x0;
	s20 =	sshll.u32 s4, $0x1;
	s4 =	sadd.s32 s21, s2  }
0x9d: {  	[timem:s6], [sflag:s22] =	dma.local [hbm:s4], s20  }
0x9e: {  	_ =	swait.ge [sflag:s22], s20  }
0x9f: {  	s3 =	ssub.s32 $0x0, s20;
	[sflag:s22] =	ssyncset.done $0x0  }
0xa0: {  	[sflag:s22] =	ssyncadd.s32 s3;
	_ =	sdelay $0x1  }
0xa1: {  	s23 =	simm.s32 $0x1B8B  }
0xa2: {  	_ =	swait.ge [sflag:s23], $0x1  }
0xa3: {  	[sflag:s23] =	ssyncset.done $0x0  }
0xa4: {  	s25 =	simm.s32 $0x1B8E;
	s24 =	sld [smem:$0x3FFE];
	[sflag:s23] =	ssyncadd.s32 $0xFFFFFFFF  }
0xa5: {  	s26 =	simm.s32 $execute0_lowered;
	[smem:$0x3FD2] =	sst s25  }
0xa6: {  	s4 =	sshll.u32 s26, $0x1;
	_ =	strace $0x80000046;
	[dreg:$0x1] =	wrdreg $0xFFFFFFFF  }
0xa7: {  	s28 =	simm.s32 $_size_execute0_lowered;
	s2 =	sadd.s32 s2, s4;
	[dreg:$0x0] =	wrdreg $0x0  }
0xa8: {  	s4 =	sshll.u32 s28, $0x1;
	[dreg:$0x2] =	wrdreg s2  }
0xa9: {  	[dreg:$0x3] =	wrdreg s4  }
0xaa: {  	[dreg:$0x4] =	wrdreg $0xC0  }
0xab: {  	_ =	task [dreg:s6], $0x5FFFF  }
0xac: {  	[dreg:$0x1] =	wrdreg $0xFFFFFFFF  }
0xad: {  	[dreg:$0x0] =	wrdreg $0x60  }
0xae: {  	[dreg:$0x2] =	wrdreg s24  }
0xaf: {  	[dreg:$0x3] =	wrdreg $0x9  }
0xb0: {  	_ =	task.clear_ibuf [dreg:s6], $0x4FFFF;
	_ =	strace $0x90000046  }
0xb1: {  	s29 =	simm.s32 $0x9;
	_ =	strace $0x80000048  }
0xb2: {  	_ =	swait.ge [sflag:s29], $0x1  }
0xb3: {  	[sflag:s29] =	ssyncadd.s32 $0xFFFFFFFF  }
0xb4: {  	_ =	strace $0x90000048  }
0xb5: {  	_ =	sfence  }
0xb6: {  	s30 =	sld [smem:$0x0];
	_ =	sdelay $0x2  }
0xb7: {  	s31 =	sshll.u32 s1, $0xD;
	s1 =	sshrl.u32 s1, $0x2  }
0xb8: {  	s3 =	sand.u32 $0x4000, s31;
	s1 =	sadd.s32 s1, s30  }
0xb9: {  	s0 =	sor.u32 s3, s0;
	s1 =	sshll.u32 s1, $0x11  }
0xba: {  	s0 =	sor.u32 s1, s0  }
0xbb: {  	s0 =	sadd.s32 $0x8F2B, s0  }
0xbc: {  	[sflag:s0] =	ssyncadd.remote.s32 $0x1  }
0xbd: {  	_ =	sfence.sel $0xFFFF  }
0xbe: {  	[dreg:$0x0] =	wrdreg $0xFFFFFFFF;
	(pc) =	sbr.abs _section_cstart, $3  }
0xbf: {  	[dreg:$0x1] =	wrdreg $0xFFFFFFFF  }
0xc0: {  	_ =	task.clear_ibuf [dreg:s6], $0x2FFFF;
	_ =	strace $0x9FFFFFFF  }
0xc1: {  	(tm) =	ssettm $0x7FFFFFFF  }
tec
execute0_lowered:
.L_overlay_start_1:
0x0: {  	(tag) =	ssettag $0x1  }
0x1: {  	s1 =	srdreg.scid;
	s0 =	stileid.u32  }
0x2: {  	s5 =	rddreg [dreg:$0x0];
	s2 =	simm.s32 $0x0;
	s9 =	simm.s32 $0x5  }
0x3: {  	s10 =	simm.s32 $0x2710;
	s11 =	simm.s32 $0xC8;
	s12 =	simm.s32 $0x4E20  }
0x4: {  	s13 =	simm.s32 $0xB220;
	s14 =	simm.s32 $0x8020;
	s15 =	simm.s32 $0xE420  }
0x5: {  	s16 =	simm.s32 $0x1;
	s17 =	simm.s32 $0x11620;
	s18 =	simm.s32 $0x2  }
0x6: {  	s19 =	simm.s32 $0x14820;
	s6 =	sand.u32 $0x1, s1;
	s3 =	sshll.u32 s0, $0x1  }
0x7: {  	s20 =	simm.s32 $0x3;
	s21 =	simm.s32 $0x4;
	s3 =	sor.u32 s6, s3  }
0x8: {  	s1 =	rddreg [dreg:$0x1];
	s6 =	ssub.s32 $0x2, s6;
	s3 =	smul.u32 $0x2710, s3  }
0x9: {  	s22 =	simm.s32 $0x0;
	[smem:$0x7FF] =	sst s2;
	s8 =	sshrl.u32 s6, $0x1  }
0xa: {  	s4 =	sadd.s32 $0x14400, s5;
	s8 =	ssub.s32 s6, s8;
	s7 =	sshrl.u32 s3, $0x3  }
0xb: {  	_ =	strace $0x80000047;
	s8 =	smax.u32 s8, $0x1;
	s7 =	sadd.s32 s7, s5  }
0xc: {  	s5 =	sadd.s32 $0x27E00, s5;
	s6 =	sadd.s32 $0xA00, s7;
	s7 =	sadd.s32 $0xA640, s7  }
.LBB2_1:
0xd: {  	[tilespmem:s2], [sflag:$0x5] =	stream.linear.gather [hbm4b:s6+s2], $0x2710, $0x38;
	[tilespmem:$0x17A20] =	vst v63  }
0xe: {  	_ =	swait.ge [sflag:s9], $0x2710  }
0xf: {  	[sflag:s9] =	ssyncset.done $0x0  }
0x10: {  	[sflag:s9] =	ssyncadd.s32 $0xFFFFD8F0  }
0x11: {  	[tilespmem:s10], [sflag:$0x5] =	stream.linear.gather [hbm4b:s7+s2], $0x2710, $0x38;
	[tilespmem:$0x17A20] =	vst v63  }
0x12: {  	_ =	swait.ge [sflag:s9], $0x2710  }
0x13: {  	[sflag:s9] =	ssyncset.done $0x0  }
0x14: {  	[sflag:s9] =	ssyncadd.s32 $0xFFFFD8F0  }
0x15: {  	[tilespmem:s12], [sflag:$0x1] =	stream.indirect.gather [hbm4b:s4+s11], $0x40, s2, s11, $0xb8;
	[tilespmem:$0x17A20] =	vst v63  }
0x16: {  	s24 =	simm.s32 $0x0  }
0x17: {  	[tilespmem:s13], [sflag:$0x1] =	stream.indirect.gather [hbm4b:s4+s11], $0x40, s10, s11, $0xb8;
	[tilespmem:$0x17A20] =	vst v63  }
.LBB2_2:
0x18: {  	s25 =	smul.u32 $0x190, s24;
	_ =	sdelay $0x1  }
0x19: {  	s23 =	sadd.s32 $0xC8, s25  }
0x1a: {  	[tilespmem:s14], [sflag:$0x2] =	stream.indirect.gather [hbm4b:s4+s11], $0x40, s23, s11, $0xb8;
	[tilespmem:$0x17A20] =	vst v63  }
0x1b: {  	s31 =	sadd.s32 $0x27D8, s25  }
0x1c: {  	[tilespmem:s15], [sflag:$0x2] =	stream.indirect.gather [hbm4b:s4+s11], $0x40, s31, s11, $0xb8;
	[tilespmem:$0x17A20] =	vst v63  }
0x1d: {  	_ =	swait.ge [sflag:s16], $0x3200  }
0x1e: {  	[sflag:s16] =	ssyncset.done $0x0  }
0x1f: {  	[sflag:s16] =	ssyncadd.s32 $0xFFFFCE00  }
0x20: {  	_ =	swait.ge [sflag:s16], $0x3200  }
0x21: {  	p0 =	seq.s32 s24, $0x0;
	[sflag:s16] =	ssyncset.done $0x0  }
0x22: {  	s23 =	simm.s32 @!p0 $0x3;
	[sflag:s16] =	ssyncadd.s32 $0xFFFFCE00  }
0x23: {  	_ =	swait.ge @!p0 [sflag:s23], $0x3200  }
0x24: {  	[sflag:s23] =	ssyncset.done @!p0 $0x0  }
0x25: {  	s28 =	simm.s32 $0x0;
	[sflag:s23] =	ssyncadd.s32 @!p0 $0xFFFFCE00  }
0x26: {  	v0 =	vld [tilespmem:s28+$0x4E90]  }
0x27: {  	v1 =	vld [tilespmem:s28+$0xB290]  }
0x28: {  	v2 =	vld [tilespmem:s28+$0x4E20]  }
0x29: {  	v4 =	vld [tilespmem:s28+$0x4E30]  }
0x2a: {  	v5 =	vld [tilespmem:s28+$0xB230]  }
0x2b: {  	v7 =	vld [tilespmem:s28+$0x4E40]  }
0x2c: {  	v9 =	vld [tilespmem:s28+$0xB240]  }
0x2d: {  	v18 =	vld [tilespmem:s28+$0xB270];
	v6 =	vshll.u32 v0, $0x10  }
0x2e: {  	v3 =	vld [tilespmem:s28+$0xB220];
	v0 =	vand.u32 $0xFFFF0000, v0;
	v8 =	vshll.u32 v1, $0x10;
	v1 =	vand.u32 $0xFFFF0000, v1  }
0x2f: {  	v14 =	vld [tilespmem:s28+$0xB260];
	v10 =	vshll.u32 v2, $0x10;
	v2 =	vand.u32 $0xFFFF0000, v2;
	v12 =	vshll.u32 v4, $0x10  }
0x30: {  	v4 =	vand.u32 $0xFFFF0000, v4;
	v15 =	vshll.u32 v5, $0x10;
	v5 =	vand.u32 $0xFFFF0000, v5  }
0x31: {  	v11 =	vld [tilespmem:s28+$0xB250];
	v16 =	vshll.u32 v7, $0x10;
	v7 =	vand.u32 $0xFFFF0000, v7;
	v17 =	vshll.u32 v9, $0x10  }
0x32: {  	v13 =	vld [tilespmem:s28+$0x4E60];
	v60 =	vshll.u32 v18, $0x10;
	v18 =	vand.u32 $0xFFFF0000, v18;
	v6 =	vmul.f32 v8, v6  }
0x33: {  	v0 =	vmul.f32 v1, v0;
	v8 =	vshll.u32 v3, $0x10;
	v3 =	vand.u32 $0xFFFF0000, v3  }
0x34: {  	v12 =	vmul.f32 v15, v12;
	v15 =	vshll.u32 v14, $0x10;
	v4 =	vmul.f32 v5, v4  }
0x35: {  	v14 =	vand.u32 $0xFFFF0000, v14;
	v16 =	vmul.f32 v17, v16;
	v8 =	vmul.f32 v8, v10  }
0x36: {  	v1 =	vld [tilespmem:s28+$0x4E50];
	v10 =	vshll.u32 v11, $0x10;
	v11 =	vand.u32 $0xFFFF0000, v11;
	v2 =	vmul.f32 v3, v2  }
0x37: {  	v19 =	vld [tilespmem:s28+$0x4E80];
	v3 =	vshll.u32 v13, $0x10;
	v13 =	vand.u32 $0xFFFF0000, v13;
	v6 =	vadd.s32 $0x8000, v6  }
0x38: {  	v20 =	vld [tilespmem:s28+$0xB280];
	v0 =	vadd.s32 $0x8000, v0;
	v3 =	vmul.f32 v15, v3;
	v15 =	vadd.s32 $0x8000, v16  }
0x39: {  	v6 =	vshrl.u32 v6, $0x10;
	v0 =	vand.u32 $0xFFFF0000, v0;
	v8 =	vadd.s32 $0x8000, v8  }
0x3a: {  	v0 =	vor.u32 v0, v6;
	v63 =	vadd.s32 $0x8000, v3;
	v8 =	vshrl.u32 v8, $0x10  }
0x3b: {  	[tilespmem:s28+$0x11690] =	vst v0;
	v0 =	vand.u32 $0xFFFF0000, v9;
	v9 =	vshll.u32 v1, $0x10;
	v1 =	vand.u32 $0xFFFF0000, v1  }
0x3c: {  	v6 =	vld [tilespmem:s28+$0x4E70];
	v0 =	vmul.f32 v0, v7;
	v7 =	vshll.u32 v19, $0x10;
	v19 =	vand.u32 $0xFFFF0000, v19  }
0x3d: {  	v9 =	vmul.f32 v10, v9;
	v10 =	vshll.u32 v20, $0x10;
	v20 =	vand.u32 $0xFFFF0000, v20  }
0x3e: {  	v1 =	vmul.f32 v11, v1;
	v11 =	vadd.s32 $0x8000, v2;
	v2 =	vmul.f32 v14, v13  }
0x3f: {  	v14 =	vadd.s32 $0x8000, v12;
	v7 =	vmul.f32 v10, v7;
	v10 =	vadd.s32 $0x8000, v4  }
0x40: {  	v12 =	vmul.f32 v20, v19;
	v0 =	vadd.s32 $0x8000, v0;
	v61 =	vadd.s32 $0x8000, v9  }
0x41: {  	v62 =	vadd.s32 $0x8000, v1;
	v9 =	vand.u32 $0xFFFF0000, v10;
	v5 =	vshll.u32 v6, $0x10  }
0x42: {  	v6 =	vand.u32 $0xFFFF0000, v6;
	v1 =	vadd.s32 $0x8000, v12;
	v12 =	vand.u32 $0xFFFF0000, v11  }
0x43: {  	v10 =	vand.u32 $0xFFFF0000, v0;
	v13 =	vmul.f32 v60, v5;
	v6 =	vmul.f32 v18, v6  }
0x44: {  	v11 =	vshrl.u32 v63, $0x10;
	v5 =	vadd.s32 $0x8000, v2;
	v2 =	vadd.s32 $0x8000, v7  }
0x45: {  	s29 =	simm.s32 $0x80;
	s26 =	sadd.s32 s3, s25;
	v7 =	vshrl.u32 v15, $0x10;
	v3 =	vadd.s32 $0x8000, v13;
	v4 =	vadd.s32 $0x8000, v6  }
0x46: {  	s30 =	simm.s32 $0x400;
	s23 =	sadd.s32 $0xC8, s26;
	v0 =	vld [tilespmem:s29+$0x4E90];
	v6 =	vshrl.u32 v14, $0x10;
	v13 =	vshrl.u32 v61, $0x10;
	v14 =	vand.u32 $0xFFFF0000, v62  }
.LBB2_3:
0x47: {  	p1 =	sne.s32 s30, $0xC600;
	v15 =	vld [tilespmem:s29+$0xB290];
	v5 =	vand.u32 $0xFFFF0000, v5;
	v3 =	vshrl.u32 v3, $0x10;
	v4 =	vand.u32 $0xFFFF0000, v4  }
0x48: {  	v8 =	vor.u32 v12, v8;
	v2 =	vshrl.u32 v2, $0x10;
	v1 =	vand.u32 $0xFFFF0000, v1;
	v16 =	vld [tilespmem:s29+$0x4E20]  }
0x49: {  	v6 =	vor.u32 v9, v6;
	v7 =	vor.u32 v10, v7;
	v12 =	vld [tilespmem:s29+$0xB220];
	[tilespmem:s28+$0x11620] =	vst v8;
	v8 =	vor.u32 v14, v13  }
0x4a: {  	v5 =	vor.u32 v5, v11;
	v3 =	vor.u32 v4, v3;
	v1 =	vor.u32 v1, v2;
	v9 =	vld [tilespmem:s29+$0x4E30];
	[tilespmem:s28+$0x11630] =	vst v6  }
0x4b: {  	v2 =	vld [tilespmem:s29+$0xB230];
	v4 =	vshll.u32 v0, $0x10;
	[tilespmem:s28+$0x11640] =	vst v7  }
0x4c: {  	v0 =	vand.u32 $0xFFFF0000, v0;
	v6 =	vld [tilespmem:s29+$0x4E40];
	v7 =	vshll.u32 v15, $0x10;
	v10 =	vand.u32 $0xFFFF0000, v15;
	[tilespmem:s28+$0x11650] =	vst v8  }
0x4d: {  	v8 =	vshll.u32 v16, $0x10;
	v11 =	vld [tilespmem:s29+$0xB240];
	v4 =	vmul.f32 v7, v4;
	v0 =	vmul.f32 v10, v0;
	[tilespmem:s28+$0x11660] =	vst v5  }
0x4e: {  	v5 =	vand.u32 $0xFFFF0000, v16;
	v7 =	vshll.u32 v12, $0x10;
	v10 =	vand.u32 $0xFFFF0000, v12;
	v12 =	vld [tilespmem:s29+$0x4E50];
	[tilespmem:s28+$0x11670] =	vst v3  }
0x4f: {  	v3 =	vshll.u32 v9, $0x10;
	v13 =	vld [tilespmem:s29+$0xB250];
	v4 =	vadd.s32 $0x8000, v4;
	v0 =	vadd.s32 $0x8000, v0;
	[tilespmem:s28+$0x11680] =	vst v1;
	s28 =	smov.u32 s29  }
0x50: {  	v1 =	vand.u32 $0xFFFF0000, v9;
	v9 =	vld [tilespmem:s28+$0x4E60];
	v4 =	vshrl.u32 v4, $0x10;
	v0 =	vand.u32 $0xFFFF0000, v0  }
0x51: {  	v14 =	vshll.u32 v2, $0x10;
	v2 =	vand.u32 $0xFFFF0000, v2;
	v15 =	vld [tilespmem:s28+$0xB260];
	v0 =	vor.u32 v0, v4  }
0x52: {  	v4 =	vshll.u32 v6, $0x10;
	v6 =	vand.u32 $0xFFFF0000, v6;
	v16 =	vshll.u32 v11, $0x10;
	v17 =	vld [tilespmem:s28+$0x4E70];
	[tilespmem:s28+$0x11690] =	vst v0  }
0x53: {  	v0 =	vand.u32 $0xFFFF0000, v11;
	v11 =	vshll.u32 v12, $0x10;
	v12 =	vand.u32 $0xFFFF0000, v12;
	v18 =	vld [tilespmem:s28+$0xB270]  }
0x54: {  	v7 =	vmul.f32 v7, v8;
	v8 =	vshll.u32 v13, $0x10;
	v13 =	vand.u32 $0xFFFF0000, v13;
	v19 =	vld [tilespmem:s28+$0x4E80]  }
0x55: {  	v5 =	vmul.f32 v10, v5;
	v10 =	vshll.u32 v9, $0x10;
	v9 =	vand.u32 $0xFFFF0000, v9;
	v20 =	vld [tilespmem:s28+$0xB280]  }
0x56: {  	v3 =	vmul.f32 v14, v3;
	v14 =	vshll.u32 v15, $0x10;
	v15 =	vand.u32 $0xFFFF0000, v15  }
0x57: {  	v1 =	vmul.f32 v2, v1;
	v2 =	vshll.u32 v17, $0x10;
	v17 =	vand.u32 $0xFFFF0000, v17  }
0x58: {  	v4 =	vmul.f32 v16, v4;
	v16 =	vshll.u32 v18, $0x10;
	v18 =	vand.u32 $0xFFFF0000, v18  }
0x59: {  	v0 =	vmul.f32 v0, v6;
	v6 =	vshll.u32 v19, $0x10;
	v19 =	vand.u32 $0xFFFF0000, v19  }
0x5a: {  	v8 =	vmul.f32 v8, v11;
	v11 =	vshll.u32 v20, $0x10;
	v20 =	vand.u32 $0xFFFF0000, v20  }
0x5b: {  	v7 =	vadd.s32 $0x8000, v7;
	v12 =	vmul.f32 v13, v12;
	v10 =	vmul.f32 v14, v10  }
0x5c: {  	v13 =	vadd.s32 $0x8000, v5;
	v5 =	vmul.f32 v15, v9;
	v2 =	vmul.f32 v16, v2  }
0x5d: {  	v9 =	vadd.s32 $0x8000, v3;
	v14 =	vmul.f32 v18, v17;
	v6 =	vmul.f32 v11, v6  }
0x5e: {  	v15 =	vadd.s32 $0x8000, v4;
	v11 =	vadd.s32 $0x8000, v1;
	v1 =	vmul.f32 v20, v19  }
0x5f: {  	v0 =	vadd.s32 $0x8000, v0;
	v16 =	vadd.s32 $0x8000, v8;
	v17 =	vadd.s32 $0x8000, v12  }
.Ltmp0:
0x60: {  	v18 =	vadd.s32 $0x8000, v10;
	v5 =	vadd.s32 $0x8000, v5;
	v3 =	vadd.s32 $0x8000, v2;
	(pc) =	sbr.rel @p1 .LBB2_3-.Ltmp0, $4  }
0x61: {  	v4 =	vadd.s32 $0x8000, v14;
	v2 =	vadd.s32 $0x8000, v6;
	v1 =	vadd.s32 $0x8000, v1  }
0x62: {  	v8 =	vshrl.u32 v7, $0x10;
	v12 =	vand.u32 $0xFFFF0000, v13;
	v6 =	vshrl.u32 v9, $0x10  }
0x63: {  	s29 =	sshra.s32 s30, $0x2;
	v7 =	vshrl.u32 v15, $0x10;
	v10 =	vand.u32 $0xFFFF0000, v0;
	v9 =	vand.u32 $0xFFFF0000, v11  }
0x64: {  	s30 =	sadd.s32 $0x200, s30;
	v13 =	vshrl.u32 v16, $0x10;
	v14 =	vand.u32 $0xFFFF0000, v17;
	v11 =	vshrl.u32 v18, $0x10;
	v0 =	vld [tilespmem:s29+$0x4E90]  }
0x65: {  	v15 =	vld [tilespmem:s29+$0xB290]  }
0x66: {  	v16 =	vld [tilespmem:s29+$0x4E20];
	v8 =	vor.u32 v12, v8;
	v6 =	vor.u32 v9, v6;
	v5 =	vand.u32 $0xFFFF0000, v5  }
0x67: {  	v12 =	vld [tilespmem:s29+$0xB220];
	v3 =	vshrl.u32 v3, $0x10;
	v4 =	vand.u32 $0xFFFF0000, v4;
	v2 =	vshrl.u32 v2, $0x10;
	[tilespmem:s28+$0x11620] =	vst v8  }
0x68: {  	v1 =	vand.u32 $0xFFFF0000, v1;
	v5 =	vor.u32 v5, v11;
	v8 =	vld [tilespmem:s29+$0x4E30];
	[tilespmem:s28+$0x11630] =	vst v6;
	v6 =	vor.u32 v10, v7  }
0x69: {  	v3 =	vor.u32 v4, v3;
	v7 =	vld [tilespmem:s29+$0xB230];
	[tilespmem:s28+$0x11640] =	vst v6;
	v6 =	vor.u32 v14, v13;
	v4 =	vshll.u32 v0, $0x10  }
0x6a: {  	v9 =	vld [tilespmem:s29+$0x4E40];
	[tilespmem:s28+$0x11650] =	vst v6;
	v0 =	vand.u32 $0xFFFF0000, v0;
	v10 =	vshll.u32 v15, $0x10;
	v11 =	vand.u32 $0xFFFF0000, v15  }
0x6b: {  	v1 =	vor.u32 v1, v2;
	v6 =	vld [tilespmem:s29+$0xB240];
	[tilespmem:s28+$0x11660] =	vst v5;
	v2 =	vmul.f32 v10, v4;
	v0 =	vmul.f32 v11, v0  }
0x6c: {  	v5 =	vld [tilespmem:s29+$0x4E50];
	[tilespmem:s28+$0x11670] =	vst v3;
	v4 =	vshll.u32 v16, $0x10;
	v10 =	vand.u32 $0xFFFF0000, v16;
	v11 =	vshll.u32 v12, $0x10  }
0x6d: {  	v3 =	vld [tilespmem:s29+$0xB250];
	[tilespmem:s28+$0x11680] =	vst v1;
	v1 =	vand.u32 $0xFFFF0000, v12;
	v13 =	vshll.u32 v8, $0x10;
	v8 =	vand.u32 $0xFFFF0000, v8  }
0x6e: {  	v4 =	vmul.f32 v11, v4;
	v2 =	vadd.s32 $0x8000, v2;
	v0 =	vadd.s32 $0x8000, v0  }
0x6f: {  	v15 =	vshll.u32 v7, $0x10;
	v7 =	vand.u32 $0xFFFF0000, v7;
	v1 =	vmul.f32 v1, v10  }
0x70: {  	v2 =	vshrl.u32 v2, $0x10;
	v0 =	vand.u32 $0xFFFF0000, v0;
	v52 =	vshll.u32 v9, $0x10  }
0x71: {  	v12 =	vld [tilespmem:s29+$0x4E60];
	v9 =	vand.u32 $0xFFFF0000, v9;
	v13 =	vmul.f32 v15, v13;
	v7 =	vmul.f32 v7, v8  }
0x72: {  	v14 =	vld [tilespmem:s29+$0xB260];
	v4 =	vadd.s32 $0x8000, v4;
	v0 =	vor.u32 v0, v2;
	v1 =	vadd.s32 $0x8000, v1  }
0x73: {  	v18 =	vld [tilespmem:s29+$0xB270];
	v4 =	vshrl.u32 v4, $0x10;
	[tilespmem:s29+$0x11690] =	vst v0;
	v0 =	vshll.u32 v6, $0x10;
	v6 =	vand.u32 $0xFFFF0000, v6  }
0x74: {  	v19 =	vld [tilespmem:s29+$0x4E80];
	v17 =	vshll.u32 v5, $0x10;
	v5 =	vand.u32 $0xFFFF0000, v5;
	v7 =	vadd.s32 $0x8000, v7  }
0x75: {  	v20 =	vld [tilespmem:s29+$0xB280];
	v1 =	vand.u32 $0xFFFF0000, v1;
	v11 =	vshll.u32 v3, $0x10;
	v3 =	vand.u32 $0xFFFF0000, v3  }
0x76: {  	v0 =	vmul.f32 v0, v52;
	v6 =	vmul.f32 v6, v9;
	v7 =	vand.u32 $0xFFFF0000, v7  }
0x77: {  	v1 =	vor.u32 v1, v4;
	v10 =	vshll.u32 v12, $0x10;
	v12 =	vand.u32 $0xFFFF0000, v12  }
0x78: {  	v2 =	vld [tilespmem:s29+$0x4E70];
	v15 =	vshll.u32 v14, $0x10;
	v14 =	vand.u32 $0xFFFF0000, v14;
	v53 =	vshll.u32 v18, $0x10  }
0x79: {  	v18 =	vand.u32 $0xFFFF0000, v18;
	v9 =	vshll.u32 v19, $0x10;
	v19 =	vand.u32 $0xFFFF0000, v19  }
0x7a: {  	v11 =	vmul.f32 v11, v17;
	v54 =	vshll.u32 v20, $0x10;
	v3 =	vmul.f32 v3, v5  }
0x7b: {  	v20 =	vand.u32 $0xFFFF0000, v20;
	v5 =	vmul.f32 v15, v10;
	v10 =	vmul.f32 v14, v12  }
0x7c: {  	v12 =	vadd.s32 $0x8000, v13;
	v9 =	vmul.f32 v54, v9;
	v0 =	vadd.s32 $0x8000, v0  }
0x7d: {  	v13 =	vmul.f32 v20, v19;
	v6 =	vadd.s32 $0x8000, v6;
	v8 =	vshll.u32 v2, $0x10  }
0x7e: {  	v2 =	vand.u32 $0xFFFF0000, v2;
	v11 =	vadd.s32 $0x8000, v11;
	v3 =	vadd.s32 $0x8000, v3  }
0x7f: {  	v12 =	vshrl.u32 v12, $0x10;
	v0 =	vshrl.u32 v0, $0x10;
	v4 =	vand.u32 $0xFFFF0000, v6  }
0x80: {  	v8 =	vmul.f32 v53, v8;
	v2 =	vmul.f32 v18, v2;
	v5 =	vadd.s32 $0x8000, v5  }
0x81: {  	v10 =	vadd.s32 $0x8000, v10;
	v9 =	vadd.s32 $0x8000, v9;
	v13 =	vadd.s32 $0x8000, v13  }
0x82: {  	[tilespmem:s29+$0x11620] =	vst v1;
	v1 =	vor.u32 v7, v12;
	v6 =	vshrl.u32 v11, $0x10;
	v3 =	vand.u32 $0xFFFF0000, v3  }
0x83: {  	v0 =	vor.u32 v4, v0;
	[tilespmem:s29+$0x11630] =	vst v1;
	v1 =	vshrl.u32 v5, $0x10;
	v4 =	vand.u32 $0xFFFF0000, v10  }
0x84: {  	v3 =	vor.u32 v3, v6;
	[tilespmem:s29+$0x11640] =	vst v0;
	v8 =	vadd.s32 $0x8000, v8;
	v2 =	vadd.s32 $0x8000, v2  }
0x85: {  	v1 =	vor.u32 v4, v1;
	[tilespmem:s29+$0x11650] =	vst v3;
	v3 =	vshrl.u32 v9, $0x10;
	v4 =	vand.u32 $0xFFFF0000, v13  }
0x86: {  	v0 =	vshrl.u32 v8, $0x10;
	v2 =	vand.u32 $0xFFFF0000, v2;
	[tilespmem:s29+$0x11660] =	vst v1;
	v1 =	vor.u32 v4, v3  }
0x87: {  	s26 =	sshll.u32 s26, $0x3;
	v0 =	vor.u32 v2, v0;
	[tilespmem:s29+$0x11680] =	vst v1  }
0x88: {  	p1 =	seq.s32 s24, $0x18;
	s26 =	sadd.s32 s5, s26;
	[tilespmem:s29+$0x11670] =	vst v0  }
0x89: {  	[hbm4b:s26+s2] =	stream.linear.scatter [tilespmem:s17], [sflag:$0x3], $0x3200, $0x38;
	[tilespmem:$0x17A20] =	vst v63  }
0x8a: {  	s28 =	simm.s32 @!p1 $0xC8;
	s29 =	simm.s32 @!p1 $0x4E20;
	s26 =	sadd.s32 @!p1 $0x190, s25  }
0x8b: {  	[tilespmem:s29], [sflag:$0x1] =	stream.indirect.gather @!p1 [hbm4b:s4+s28], $0x40, s26, s28, $0xb8;
	[tilespmem:$0x17A20] =	vst v63  }
0x8c: {  	s25 =	sadd.s32 @!p1 $0x28A0, s25;
	s26 =	simm.s32 @!p1 $0xB220  }
0x8d: {  	[tilespmem:s26], [sflag:$0x1] =	stream.indirect.gather @!p1 [hbm4b:s4+s28], $0x40, s25, s28, $0xb8;
	[tilespmem:$0x17A20] =	vst v63  }
0x8e: {  	_ =	swait.ge [sflag:s18], $0x3200  }
0x8f: {  	[sflag:s18] =	ssyncset.done $0x0  }
0x90: {  	[sflag:s18] =	ssyncadd.s32 $0xFFFFCE00  }
0x91: {  	_ =	swait.ge [sflag:s18], $0x3200  }
0x92: {  	[sflag:s18] =	ssyncset.done $0x0  }
0x93: {  	s25 =	simm.s32 @!p0 $0x4;
	[sflag:s18] =	ssyncadd.s32 $0xFFFFCE00  }
0x94: {  	_ =	swait.ge @!p0 [sflag:s25], $0x3200  }
0x95: {  	[sflag:s25] =	ssyncset.done @!p0 $0x0  }
0x96: {  	[sflag:s25] =	ssyncadd.s32 @!p0 $0xFFFFCE00;
	s25 =	simm.s32 $0x0  }
0x97: {  	v0 =	vld [tilespmem:s25+$0x8090]  }
0x98: {  	v1 =	vld [tilespmem:s25+$0xE490]  }
0x99: {  	v2 =	vld [tilespmem:s25+$0x8020]  }
0x9a: {  	v4 =	vld [tilespmem:s25+$0x8030]  }
0x9b: {  	v5 =	vld [tilespmem:s25+$0xE430]  }
0x9c: {  	v7 =	vld [tilespmem:s25+$0x8040]  }
0x9d: {  	v9 =	vld [tilespmem:s25+$0xE440]  }
0x9e: {  	v57 =	vld [tilespmem:s25+$0xE470]  }
0x9f: {  	v58 =	vld [tilespmem:s25+$0x8080];
	v6 =	vshll.u32 v0, $0x10  }
0xa0: {  	v59 =	vld [tilespmem:s25+$0xE480];
	v0 =	vand.u32 $0xFFFF0000, v0;
	v8 =	vshll.u32 v1, $0x10;
	v1 =	vand.u32 $0xFFFF0000, v1  }
0xa1: {  	v3 =	vld [tilespmem:s25+$0xE420];
	v10 =	vshll.u32 v2, $0x10;
	v2 =	vand.u32 $0xFFFF0000, v2;
	v12 =	vshll.u32 v4, $0x10  }
0xa2: {  	v14 =	vld [tilespmem:s25+$0xE460];
	v4 =	vand.u32 $0xFFFF0000, v4;
	v15 =	vshll.u32 v5, $0x10;
	v5 =	vand.u32 $0xFFFF0000, v5  }
0xa3: {  	v11 =	vld [tilespmem:s25+$0xE450];
	v55 =	vshll.u32 v7, $0x10;
	v7 =	vand.u32 $0xFFFF0000, v7;
	v56 =	vshll.u32 v9, $0x10  }
0xa4: {  	v13 =	vld [tilespmem:s25+$0x8060];
	v60 =	vshll.u32 v57, $0x10;
	v18 =	vand.u32 $0xFFFF0000, v57;
	v19 =	vand.u32 $0xFFFF0000, v58  }
0xa5: {  	v20 =	vand.u32 $0xFFFF0000, v59;
	v6 =	vmul.f32 v8, v6;
	v0 =	vmul.f32 v1, v0  }
0xa6: {  	v8 =	vshll.u32 v3, $0x10;
	v3 =	vand.u32 $0xFFFF0000, v3;
	v12 =	vmul.f32 v15, v12  }
0xa7: {  	v15 =	vshll.u32 v14, $0x10;
	v14 =	vand.u32 $0xFFFF0000, v14;
	v4 =	vmul.f32 v5, v4  }
0xa8: {  	v16 =	vmul.f32 v56, v55;
	v8 =	vmul.f32 v8, v10;
	v10 =	vshll.u32 v11, $0x10  }
0xa9: {  	v1 =	vld [tilespmem:s25+$0x8050];
	v11 =	vand.u32 $0xFFFF0000, v11;
	v2 =	vmul.f32 v3, v2;
	v3 =	vshll.u32 v13, $0x10  }
0xaa: {  	v13 =	vand.u32 $0xFFFF0000, v13;
	v6 =	vadd.s32 $0x8000, v6;
	v0 =	vadd.s32 $0x8000, v0  }
0xab: {  	v3 =	vmul.f32 v15, v3;
	v6 =	vshrl.u32 v6, $0x10;
	v0 =	vand.u32 $0xFFFF0000, v0  }
0xac: {  	v15 =	vadd.s32 $0x8000, v16;
	v8 =	vadd.s32 $0x8000, v8;
	v0 =	vor.u32 v0, v6  }
0xad: {  	v63 =	vadd.s32 $0x8000, v3;
	v8 =	vshrl.u32 v8, $0x10;
	[tilespmem:s25+$0x14890] =	vst v0;
	v0 =	vand.u32 $0xFFFF0000, v9  }
0xae: {  	v9 =	vshll.u32 v1, $0x10;
	v1 =	vand.u32 $0xFFFF0000, v1;
	v0 =	vmul.f32 v0, v7  }
0xaf: {  	v6 =	vld [tilespmem:s25+$0x8070];
	v7 =	vshll.u32 v58, $0x10;
	v9 =	vmul.f32 v10, v9;
	v10 =	vshll.u32 v59, $0x10  }
0xb0: {  	v1 =	vmul.f32 v11, v1;
	v11 =	vadd.s32 $0x8000, v2;
	v2 =	vmul.f32 v14, v13  }
0xb1: {  	v14 =	vadd.s32 $0x8000, v12;
	v12 =	vmul.f32 v20, v19;
	v7 =	vmul.f32 v10, v7  }
0xb2: {  	v10 =	vadd.s32 $0x8000, v4;
	v0 =	vadd.s32 $0x8000, v0;
	v61 =	vadd.s32 $0x8000, v9  }
0xb3: {  	v62 =	vadd.s32 $0x8000, v1;
	v1 =	vadd.s32 $0x8000, v12;
	v12 =	vand.u32 $0xFFFF0000, v11  }
0xb4: {  	v9 =	vand.u32 $0xFFFF0000, v10;
	v5 =	vshll.u32 v6, $0x10;
	v6 =	vand.u32 $0xFFFF0000, v6  }
0xb5: {  	v11 =	vshrl.u32 v63, $0x10;
	v13 =	vmul.f32 v60, v5;
	v6 =	vmul.f32 v18, v6  }
0xb6: {  	v10 =	vand.u32 $0xFFFF0000, v0;
	v5 =	vadd.s32 $0x8000, v2;
	v2 =	vadd.s32 $0x8000, v7  }
0xb7: {  	s26 =	simm.s32 $0x80;
	v7 =	vshrl.u32 v15, $0x10;
	v3 =	vadd.s32 $0x8000, v13;
	v4 =	vadd.s32 $0x8000, v6  }
0xb8: {  	s24 =	sadd.s32 $0x1, s24;
	s28 =	simm.s32 $0x400;
	v0 =	vld [tilespmem:s26+$0x8090];
	v6 =	vshrl.u32 v14, $0x10;
	v13 =	vshrl.u32 v61, $0x10;
	v14 =	vand.u32 $0xFFFF0000, v62  }
.LBB2_5:
0xb9: {  	p0 =	sne.s32 s28, $0xC600;
	v15 =	vld [tilespmem:s26+$0xE490];
	v5 =	vand.u32 $0xFFFF0000, v5;
	v3 =	vshrl.u32 v3, $0x10;
	v4 =	vand.u32 $0xFFFF0000, v4  }
0xba: {  	v8 =	vor.u32 v12, v8;
	v2 =	vshrl.u32 v2, $0x10;
	v1 =	vand.u32 $0xFFFF0000, v1;
	v16 =	vld [tilespmem:s26+$0x8020]  }
0xbb: {  	v6 =	vor.u32 v9, v6;
	v7 =	vor.u32 v10, v7;
	v12 =	vld [tilespmem:s26+$0xE420];
	[tilespmem:s25+$0x14820] =	vst v8;
	v8 =	vor.u32 v14, v13  }
0xbc: {  	v5 =	vor.u32 v5, v11;
	v3 =	vor.u32 v4, v3;
	v1 =	vor.u32 v1, v2;
	v9 =	vld [tilespmem:s26+$0x8030];
	[tilespmem:s25+$0x14830] =	vst v6  }
0xbd: {  	v2 =	vld [tilespmem:s26+$0xE430];
	v4 =	vshll.u32 v0, $0x10;
	[tilespmem:s25+$0x14840] =	vst v7  }
0xbe: {  	v0 =	vand.u32 $0xFFFF0000, v0;
	v6 =	vld [tilespmem:s26+$0x8040];
	v7 =	vshll.u32 v15, $0x10;
	v10 =	vand.u32 $0xFFFF0000, v15;
	[tilespmem:s25+$0x14850] =	vst v8  }
0xbf: {  	v8 =	vshll.u32 v16, $0x10;
	v11 =	vld [tilespmem:s26+$0xE440];
	v4 =	vmul.f32 v7, v4;
	v0 =	vmul.f32 v10, v0;
	[tilespmem:s25+$0x14860] =	vst v5  }
0xc0: {  	v5 =	vand.u32 $0xFFFF0000, v16;
	v7 =	vshll.u32 v12, $0x10;
	v10 =	vand.u32 $0xFFFF0000, v12;
	v12 =	vld [tilespmem:s26+$0x8050];
	[tilespmem:s25+$0x14870] =	vst v3  }
0xc1: {  	v3 =	vshll.u32 v9, $0x10;
	v13 =	vld [tilespmem:s26+$0xE450];
	v4 =	vadd.s32 $0x8000, v4;
	v0 =	vadd.s32 $0x8000, v0;
	[tilespmem:s25+$0x14880] =	vst v1;
	s25 =	smov.u32 s26  }
0xc2: {  	v1 =	vand.u32 $0xFFFF0000, v9;
	v9 =	vld [tilespmem:s25+$0x8060];
	v4 =	vshrl.u32 v4, $0x10;
	v0 =	vand.u32 $0xFFFF0000, v0  }
0xc3: {  	v14 =	vshll.u32 v2, $0x10;
	v2 =	vand.u32 $0xFFFF0000, v2;
	v15 =	vld [tilespmem:s25+$0xE460];
	v0 =	vor.u32 v0, v4  }
0xc4: {  	v4 =	vshll.u32 v6, $0x10;
	v6 =	vand.u32 $0xFFFF0000, v6;
	v16 =	vshll.u32 v11, $0x10;
	v17 =	vld [tilespmem:s25+$0x8070];
	[tilespmem:s25+$0x14890] =	vst v0  }
0xc5: {  	v0 =	vand.u32 $0xFFFF0000, v11;
	v11 =	vshll.u32 v12, $0x10;
	v12 =	vand.u32 $0xFFFF0000, v12;
	v18 =	vld [tilespmem:s25+$0xE470]  }
0xc6: {  	v7 =	vmul.f32 v7, v8;
	v8 =	vshll.u32 v13, $0x10;
	v13 =	vand.u32 $0xFFFF0000, v13;
	v19 =	vld [tilespmem:s25+$0x8080]  }
0xc7: {  	v5 =	vmul.f32 v10, v5;
	v10 =	vshll.u32 v9, $0x10;
	v9 =	vand.u32 $0xFFFF0000, v9;
	v20 =	vld [tilespmem:s25+$0xE480]  }
0xc8: {  	v3 =	vmul.f32 v14, v3;
	v14 =	vshll.u32 v15, $0x10;
	v15 =	vand.u32 $0xFFFF0000, v15  }
0xc9: {  	v1 =	vmul.f32 v2, v1;
	v2 =	vshll.u32 v17, $0x10;
	v17 =	vand.u32 $0xFFFF0000, v17  }
0xca: {  	v4 =	vmul.f32 v16, v4;
	v16 =	vshll.u32 v18, $0x10;
	v18 =	vand.u32 $0xFFFF0000, v18  }
0xcb: {  	v0 =	vmul.f32 v0, v6;
	v6 =	vshll.u32 v19, $0x10;
	v19 =	vand.u32 $0xFFFF0000, v19  }
0xcc: {  	v8 =	vmul.f32 v8, v11;
	v11 =	vshll.u32 v20, $0x10;
	v20 =	vand.u32 $0xFFFF0000, v20  }
0xcd: {  	v7 =	vadd.s32 $0x8000, v7;
	v12 =	vmul.f32 v13, v12;
	v10 =	vmul.f32 v14, v10  }
0xce: {  	v13 =	vadd.s32 $0x8000, v5;
	v5 =	vmul.f32 v15, v9;
	v2 =	vmul.f32 v16, v2  }
0xcf: {  	v9 =	vadd.s32 $0x8000, v3;
	v14 =	vmul.f32 v18, v17;
	v6 =	vmul.f32 v11, v6  }
0xd0: {  	v15 =	vadd.s32 $0x8000, v4;
	v11 =	vadd.s32 $0x8000, v1;
	v1 =	vmul.f32 v20, v19  }
0xd1: {  	v0 =	vadd.s32 $0x8000, v0;
	v16 =	vadd.s32 $0x8000, v8;
	v17 =	vadd.s32 $0x8000, v12  }
.Ltmp1:
0xd2: {  	v18 =	vadd.s32 $0x8000, v10;
	v5 =	vadd.s32 $0x8000, v5;
	v3 =	vadd.s32 $0x8000, v2;
	(pc) =	sbr.rel @p0 .LBB2_5-.Ltmp1, $4  }
0xd3: {  	v4 =	vadd.s32 $0x8000, v14;
	v2 =	vadd.s32 $0x8000, v6;
	v1 =	vadd.s32 $0x8000, v1  }
0xd4: {  	v8 =	vshrl.u32 v7, $0x10;
	v12 =	vand.u32 $0xFFFF0000, v13;
	v6 =	vshrl.u32 v9, $0x10  }
0xd5: {  	s26 =	sshra.s32 s28, $0x2;
	v7 =	vshrl.u32 v15, $0x10;
	v10 =	vand.u32 $0xFFFF0000, v0;
	v9 =	vand.u32 $0xFFFF0000, v11  }
0xd6: {  	s28 =	sadd.s32 $0x200, s28;
	v13 =	vshrl.u32 v16, $0x10;
	v14 =	vand.u32 $0xFFFF0000, v17;
	v11 =	vshrl.u32 v18, $0x10;
	v0 =	vld [tilespmem:s26+$0x8090]  }
0xd7: {  	v15 =	vld [tilespmem:s26+$0xE490]  }
0xd8: {  	v16 =	vld [tilespmem:s26+$0x8020];
	v8 =	vor.u32 v12, v8;
	v6 =	vor.u32 v9, v6;
	v24 =	vor.u32 v10, v7  }
0xd9: {  	v23 =	vld [tilespmem:s26+$0xE420];
	v26 =	vor.u32 v14, v13;
	v5 =	vand.u32 $0xFFFF0000, v5;
	v3 =	vshrl.u32 v3, $0x10;
	[tilespmem:s25+$0x14820] =	vst v8  }
0xda: {  	v4 =	vand.u32 $0xFFFF0000, v4;
	v2 =	vshrl.u32 v2, $0x10;
	v1 =	vand.u32 $0xFFFF0000, v1;
	v8 =	vld [tilespmem:s26+$0x8030]  }
0xdb: {  	v5 =	vor.u32 v5, v11;
	v3 =	vor.u32 v4, v3;
	v1 =	vor.u32 v1, v2;
	[tilespmem:s25+$0x14830] =	vst v6  }
0xdc: {  	v25 =	vld [tilespmem:s26+$0xE430];
	[tilespmem:s25+$0x14840] =	vst v24;
	v28 =	vshll.u32 v0, $0x10;
	v29 =	vand.u32 $0xFFFF0000, v0;
	v30 =	vshll.u32 v15, $0x10  }
0xdd: {  	v27 =	vld [tilespmem:s26+$0x8040];
	[tilespmem:s25+$0x14850] =	vst v26;
	v31 =	vand.u32 $0xFFFF0000, v15;
	v33 =	vshll.u32 v16, $0x10;
	v34 =	vand.u32 $0xFFFF0000, v16  }
0xde: {  	v6 =	vld [tilespmem:s26+$0xE440];
	[tilespmem:s25+$0x14860] =	vst v5;
	v35 =	vshll.u32 v23, $0x10;
	v36 =	vand.u32 $0xFFFF0000, v23;
	v32 =	vmul.f32 v30, v28  }
0xdf: {  	v5 =	vld [tilespmem:s26+$0x8050];
	[tilespmem:s25+$0x14870] =	vst v3;
	v0 =	vmul.f32 v31, v29;
	v4 =	vmul.f32 v35, v33;
	v38 =	vshll.u32 v8, $0x10  }
0xe0: {  	v3 =	vld [tilespmem:s26+$0xE450];
	[tilespmem:s25+$0x14880] =	vst v1;
	v8 =	vand.u32 $0xFFFF0000, v8;
	v1 =	vmul.f32 v36, v34;
	v2 =	vadd.s32 $0x8000, v32  }
0xe1: {  	v0 =	vadd.s32 $0x8000, v0;
	v40 =	vshll.u32 v25, $0x10;
	v7 =	vand.u32 $0xFFFF0000, v25  }
0xe2: {  	v4 =	vadd.s32 $0x8000, v4;
	v2 =	vshrl.u32 v2, $0x10;
	v0 =	vand.u32 $0xFFFF0000, v0  }
0xe3: {  	v37 =	vld [tilespmem:s26+$0x8060];
	v42 =	vshll.u32 v27, $0x10;
	v9 =	vand.u32 $0xFFFF0000, v27;
	v13 =	vmul.f32 v40, v38  }
0xe4: {  	v39 =	vld [tilespmem:s26+$0xE460];
	v7 =	vmul.f32 v7, v8;
	v1 =	vadd.s32 $0x8000, v1;
	v4 =	vshrl.u32 v4, $0x10  }
0xe5: {  	v41 =	vld [tilespmem:s26+$0x8070];
	v0 =	vor.u32 v0, v2;
	v43 =	vshll.u32 v6, $0x10;
	v6 =	vand.u32 $0xFFFF0000, v6  }
0xe6: {  	v18 =	vld [tilespmem:s26+$0xE470];
	v1 =	vand.u32 $0xFFFF0000, v1;
	v17 =	vshll.u32 v5, $0x10;
	v5 =	vand.u32 $0xFFFF0000, v5  }
0xe7: {  	v19 =	vld [tilespmem:s26+$0x8080];
	[tilespmem:s26+$0x14890] =	vst v0;
	v0 =	vmul.f32 v43, v42;
	v6 =	vmul.f32 v6, v9;
	v53 =	vadd.s32 $0x8000, v13  }
0xe8: {  	v20 =	vld [tilespmem:s26+$0xE480];
	v7 =	vadd.s32 $0x8000, v7;
	v1 =	vor.u32 v1, v4;
	v44 =	vshll.u32 v3, $0x10  }
0xe9: {  	v3 =	vand.u32 $0xFFFF0000, v3;
	v7 =	vand.u32 $0xFFFF0000, v7;
	v45 =	vshll.u32 v37, $0x10  }
0xea: {  	v12 =	vand.u32 $0xFFFF0000, v37;
	v46 =	vshll.u32 v39, $0x10;
	v14 =	vand.u32 $0xFFFF0000, v39  }
0xeb: {  	v47 =	vshll.u32 v41, $0x10;
	v2 =	vand.u32 $0xFFFF0000, v41;
	v48 =	vshll.u32 v18, $0x10  }
0xec: {  	v18 =	vand.u32 $0xFFFF0000, v18;
	v49 =	vshll.u32 v19, $0x10;
	v19 =	vand.u32 $0xFFFF0000, v19  }
0xed: {  	v11 =	vmul.f32 v44, v17;
	v50 =	vshll.u32 v20, $0x10;
	v3 =	vmul.f32 v3, v5  }
0xee: {  	v20 =	vand.u32 $0xFFFF0000, v20;
	v51 =	vmul.f32 v46, v45;
	v52 =	vmul.f32 v14, v12  }
0xef: {  	v0 =	vadd.s32 $0x8000, v0;
	v8 =	vmul.f32 v48, v47;
	v2 =	vmul.f32 v18, v2  }
0xf0: {  	v6 =	vadd.s32 $0x8000, v6;
	v9 =	vmul.f32 v50, v49;
	v54 =	vmul.f32 v20, v19  }
0xf1: {  	v12 =	vshrl.u32 v53, $0x10;
	v0 =	vshrl.u32 v0, $0x10;
	v55 =	vand.u32 $0xFFFF0000, v6  }
0xf2: {  	v11 =	vadd.s32 $0x8000, v11;
	v3 =	vadd.s32 $0x8000, v3;
	v56 =	vor.u32 v7, v12  }
0xf3: {  	v0 =	vor.u32 v55, v0;
	v5 =	vadd.s32 $0x8000, v51;
	v10 =	vadd.s32 $0x8000, v52  }
0xf4: {  	[tilespmem:s26+$0x14820] =	vst v1;
	v8 =	vadd.s32 $0x8000, v8;
	v2 =	vadd.s32 $0x8000, v2;
	v9 =	vadd.s32 $0x8000, v9  }
0xf5: {  	v13 =	vadd.s32 $0x8000, v54;
	v57 =	vshrl.u32 v11, $0x10;
	v3 =	vand.u32 $0xFFFF0000, v3;
	[tilespmem:s26+$0x14830] =	vst v56  }
0xf6: {  	p0 =	sne.s32 s24, $0x19;
	[tilespmem:s26+$0x14840] =	vst v0;
	v58 =	vshrl.u32 v5, $0x10;
	v59 =	vand.u32 $0xFFFF0000, v10;
	v3 =	vor.u32 v3, v57  }
.Ltmp2:
0xf7: {  	v60 =	vshrl.u32 v8, $0x10;
	v2 =	vand.u32 $0xFFFF0000, v2;
	v1 =	vor.u32 v59, v58;
	[tilespmem:s26+$0x14850] =	vst v3;
	(pc) =	sbr.rel @p0 .LBB2_2-.Ltmp2, $4  }
0xf8: {  	s23 =	sshll.u32 s23, $0x3;
	v61 =	vshrl.u32 v9, $0x10;
	v62 =	vand.u32 $0xFFFF0000, v13;
	v0 =	vor.u32 v2, v60;
	[tilespmem:s26+$0x14860] =	vst v1  }
0xf9: {  	s23 =	sand.u32 $0x1FFFFFC0, s23;
	v63 =	vor.u32 v62, v61;
	[tilespmem:s26+$0x14870] =	vst v0  }
0xfa: {  	s23 =	sadd.s32 s5, s23;
	[tilespmem:s26+$0x14880] =	vst v63  }
0xfb: {  	[hbm4b:s23+s2] =	stream.linear.scatter [tilespmem:s19], [sflag:$0x4], $0x3200, $0x38;
	[tilespmem:$0x17A20] =	vst v63  }
0xfc: {  	s22 =	sadd.s32 $0x1, s22  }
0xfd: {  	_ =	swait.ge [sflag:s20], $0x3200;
	p0 =	sne.s32 s22, s8  }
.Ltmp3:
0xfe: {  	[sflag:s20] =	ssyncset.done $0x0;
	(pc) =	sbr.rel @p0 .LBB2_1-.Ltmp3, $4  }
0xff: {  	[sflag:s20] =	ssyncadd.s32 $0xFFFFCE00  }
0x100: {  	_ =	swait.ge [sflag:s21], $0x3200  }
0x101: {  	[sflag:s21] =	ssyncset.done $0x0  }
0x102: {  	[sflag:s21] =	ssyncadd.s32 $0xFFFFCE00  }
0x103: {  	_ =	sfence.sel $0x180000  }
0x104: {  	[bflag:$0x0] =	sbarrier.arrive $0xFFFF  }
0x105: {  	p0 =	sne.s32 s0, $0x0;
	_ =	strace $0x90000047  }
0x106: {  	s0 =	sadd.s32 @!p0 $0x100000, s1;
	[bflag:$0x2] =	sbarrier.arrive $0xFFFF  }
0x107: {  	[sflag:s0] =	ssyncadd.tile.s32 @!p0 $0x1;
	_ =	shalt  }
.Lfunc_end2:
_tile_overlayer_lowered:
.L_overlay_start_2:
0x108: {  	(tag) =	ssettag $0x2  }
0x109: {  	s0 =	rddreg [dreg:$0x0];
	s2 =	stileid.u32  }
0x10a: {  	s1 =	rddreg [dreg:$0x1];
	p0 =	sne.s32 s2, $0x0  }
0x10b: {  	s3 =	rddreg [dreg:$0x2];
	[bflag:$0x3] =	sbarrier.arrive $0xFFFF;
	s2 =	simm.s32 @!p0 $0x1C05  }
0x10c: {  	[timem:s3], [sflag:s2] =	dma.local @!p0 [hbm:s0], s1  }
0x10d: {  	s0 =	simm.s32 @!p0 $0x5  }
0x10e: {  	_ =	swait.ge @!p0 [sflag:s0], s1  }
0x10f: {  	s1 =	ssub.s32 @!p0 $0x0, s1;
	[sflag:s0] =	ssyncset.done @!p0 $0x0  }
0x110: {  	[sflag:s0] =	ssyncadd.s32 @!p0 s1  }
0x111: {  	[bflag:$0x3] =	sbarrier.arrive $0xFFFF  }
0x112: {  	_ =	shalt  }

</sc_bundles>
